<compile_context>
chip_gen: v7x
topology: tpu7x:2x2x1
jax: 0.10.2.dev20260603
libtpu: 0.0.44.dev20260713+nightly
codegen_flags: <defaults>
</compile_context>

<pallas_src>
import functools

import jax
import jax.numpy as jnp
from jax import lax
from jax.experimental import pallas as pl
from jax.experimental.pallas import tpu as pltpu
from jax.experimental.pallas import tpu_sc as plsc

SEQ = 200
D = 128
CHUNK = 128
POS_EXT = SEQ + CHUNK


def _emb_lookup_kernel(n_tokens, n_workers):
    chunks_per_w = n_tokens // CHUNK // n_workers
    pairs = chunks_per_w // 2
    mesh = plsc.VectorSubcoreMesh(core_axis_name="c", subcore_axis_name="s")

    @functools.partial(
        pl.kernel,
        out_type=jax.ShapeDtypeStruct((n_tokens, D), jnp.float32),
        mesh=mesh,
        scratch_types=[
            pltpu.VMEM((chunks_per_w, CHUNK), jnp.int32),
            pltpu.VMEM((CHUNK, D), jnp.float32),
            pltpu.VMEM((CHUNK, D), jnp.float32),
            pltpu.VMEM((POS_EXT, D), jnp.float32),
            pltpu.SemaphoreType.DMA,
            pltpu.SemaphoreType.DMA,
            pltpu.SemaphoreType.DMA,
            pltpu.SemaphoreType.DMA,
        ],
    )
    def body(idx_hbm, emb_hbm, pos_hbm, out_hbm, idx_v, rows_a, rows_b,
             pos_v, gsem_a, gsem_b, osem_a, osem_b):
        nc = lax.axis_size("c")
        wid = lax.axis_index("s") * nc + lax.axis_index("c")
        c0 = wid * chunks_per_w

        pltpu.sync_copy(pos_hbm.at[pl.ds(0, SEQ)], pos_v.at[pl.ds(0, SEQ)])
        pltpu.sync_copy(pos_hbm.at[pl.ds(0, CHUNK)],
                        pos_v.at[pl.ds(SEQ, CHUNK)])
        pltpu.sync_copy(idx_hbm.at[pl.ds(c0, chunks_per_w)], idx_v)

        def gather(g_local, rows, sem):
            return pltpu.async_copy(emb_hbm.at[idx_v.at[g_local]], rows, sem)

        def gather_wait(g_local, rows, sem):
            pltpu.make_async_copy(emb_hbm.at[idx_v.at[g_local]], rows,
                                  sem).wait()

        def out_slice(g_local):
            return out_hbm.at[pl.ds((c0 + g_local) * CHUNK, CHUNK)]

        def add_pos(rows, poff):
            @plsc.parallel_loop(0, CHUNK, step=1, unroll=4)
            def _(i):
                p = poff + i
                for j in range(D // 16):
                    sl = pl.ds(j * 16, 16)
                    rows[i, sl] = rows[i, sl] + pos_v[p, sl]

        gather(0, rows_a, gsem_a)

        def pair_body(t, _):
            g0 = 2 * t
            g1 = g0 + 1
            @pl.when(t > 0)
            def _():
                pltpu.make_async_copy(rows_b, out_slice(g1 - 2), osem_b).wait()

            gather(g1, rows_b, gsem_b)

            gather_wait(g0, rows_a, gsem_a)
            add_pos(rows_a, lax.rem(g0 * CHUNK, SEQ))
            pltpu.async_copy(rows_a, out_slice(g0), osem_a)

            gather_wait(g1, rows_b, gsem_b)
            pltpu.make_async_copy(rows_a, out_slice(g0), osem_a).wait()

            @pl.when(t + 1 < pairs)
            def _():
                gather(g0 + 2, rows_a, gsem_a)

            add_pos(rows_b, lax.rem(g1 * CHUNK, SEQ))
            pltpu.async_copy(rows_b, out_slice(g1), osem_b)
            return 0

        lax.fori_loop(0, pairs, pair_body, 0)
        pltpu.make_async_copy(rows_b, out_slice(chunks_per_w - 1),
                              osem_b).wait()

    return body


def kernel(idx, emb, pos):
    b, l = idx.shape
    n_tokens = b * l
    info = plsc.get_sparse_core_info()
    n_workers = info.num_cores * info.num_subcores
    idx2 = idx.reshape(n_tokens // CHUNK, CHUNK).astype(jnp.int32)
    out = _emb_lookup_kernel(n_tokens, n_workers)(idx2, emb, pos)
    return out.reshape(b, l, D)

# --- scband reference (transcript-rebuilt; emitter-appended) ---
"""Pipeline reference for scband-char-tokenizer-55198919688539 (READ-ONLY COPY).

The authoritative reference and input builder live on the scoring server;
editing this copy changes nothing except your own understanding.
"""

import jax, jax.numpy as jnp
import numpy as np

VOCAB_SIZE = 1000
MAX_SEQ_LEN = 256
MODEL_DIM = 128
BATCH = 4096
SEQ = 200


def setup_inputs(seed: int = 0) -> dict:
    key = jax.random.key(seed)
    k1, k2, k3 = jax.random.split(key, 3)
    idx = jax.random.randint(k1, (BATCH, SEQ), 0, VOCAB_SIZE)
    emb = jax.random.normal(k2, (VOCAB_SIZE, MODEL_DIM), dtype=jnp.float32)
    pos = jax.random.normal(k3, (MAX_SEQ_LEN, MODEL_DIM), dtype=jnp.float32)
    return {"idx": idx, "emb": emb, "pos": pos}


def reference(idx, emb, pos):
    b, l = idx.shape
    pos_ids = jnp.arange(l)
    tok = jnp.take(emb, idx, axis=0)            # [B, L, D] gather
    p = jnp.take(pos, pos_ids, axis=0)          # [L, D] gather
    x = tok + p[None, :, :]
    return x

if __name__ == "__main__":
    import jax
    _d = setup_inputs()
    print(jax.jit(kernel)(*tuple(_d.values())))

</pallas_src>

<mosaic_0001>
#map = affine_map<(d0, d1) -> (0, 0)>
module attributes {stable_mosaic.version = 14 : i64} {
  func.func @body(%arg0: i32, %arg1: i32, %arg2: memref<6400x128xi32, #tpu.memory_space<hbm>>, %arg3: memref<1000x128xf32, #tpu.memory_space<hbm>>, %arg4: memref<256x128xf32, #tpu.memory_space<hbm>>, %arg5: memref<819200x128xf32, #tpu.memory_space<hbm>>, %arg6: memref<200x128xi32, #tpu.memory_space<vmem>>, %arg7: memref<128x128xf32, #tpu.memory_space<vmem>>, %arg8: memref<128x128xf32, #tpu.memory_space<vmem>>, %arg9: memref<328x128xf32, #tpu.memory_space<vmem>>, %arg10: memref<!tpu.dma_semaphore, #tpu.memory_space<semaphore_mem>>, %arg11: memref<!tpu.dma_semaphore, #tpu.memory_space<semaphore_mem>>, %arg12: memref<!tpu.dma_semaphore, #tpu.memory_space<semaphore_mem>>, %arg13: memref<!tpu.dma_semaphore, #tpu.memory_space<semaphore_mem>>) attributes {dimension_semantics = [#tpu.dimension_semantics<core_parallel>, #tpu.dimension_semantics<subcore_parallel>], iteration_bounds = array<i64: 2, 16>, scalar_prefetch = 0 : i64, scratch_operands = 8 : i64, tpu.core_type = #tpu.core_type<sc_vector_subcore>, window_params = [{transform_indices = #map}, {transform_indices = #map}, {transform_indices = #map}, {transform_indices = #map}]} {
    %mul3A = arith.constant 2 : i32
    %mul3A_0 = arith.muli %arg1, %mul3A : i32
    %add3A = arith.addi %mul3A_0, %arg0 : i32
    %mul3A_1 = arith.constant 200 : i32
    %mul3A_2 = arith.muli %add3A, %mul3A_1 : i32
    "tpu.region"() ({
      %run_scoped3A = tpu.sem_alloc : memref<!tpu.dma_semaphore, #tpu.memory_space<semaphore_mem>>
      %dma_start3A_22 = arith.constant 0 : i32
      %dma_start3A_23 = arith.constant 0 : i32
      %dma_start3A_24 = tpu.memref_slice %arg9[%dma_start3A_22, %dma_start3A_23] : memref<328x128xf32, #tpu.memory_space<vmem>> -> memref<200x128xf32, #tpu.memory_space<vmem>>
      %dma_start3A_25 = arith.constant 0 : i32
      %dma_start3A_26 = arith.constant 0 : i32
      %dma_start3A_27 = tpu.memref_slice %arg4[%dma_start3A_25, %dma_start3A_26] : memref<256x128xf32, #tpu.memory_space<hbm>> -> memref<200x128xf32, #tpu.memory_space<hbm>>
      %dma_start3A_28 = arith.constant 0 : i32
      %dma_start3A_29 = arith.constant 0 : i32
      %dma_start3A_30 = tpu.memref_slice %arg9[%dma_start3A_28, %dma_start3A_29] : memref<328x128xf32, #tpu.memory_space<vmem>> -> memref<200x128xf32, #tpu.memory_space<vmem>>
      %dma_start3A_31 = arith.constant 0 : i32
      %dma_start3A_32 = arith.constant 0 : i32
      %dma_start3A_33 = tpu.memref_slice %arg4[%dma_start3A_31, %dma_start3A_32] : memref<256x128xf32, #tpu.memory_space<hbm>> -> memref<200x128xf32, #tpu.memory_space<hbm>>
      tpu.enqueue_dma source(%dma_start3A_33 : memref<200x128xf32, #tpu.memory_space<hbm>>) target(%dma_start3A_30 : memref<200x128xf32, #tpu.memory_space<vmem>>) target_semaphore(%run_scoped3A : memref<!tpu.dma_semaphore, #tpu.memory_space<semaphore_mem>>)
      %dma_wait3A_34 = arith.constant 0 : i32
      %dma_wait3A_35 = arith.constant 0 : i32
      %dma_wait3A_36 = tpu.memref_slice %arg9[%dma_wait3A_34, %dma_wait3A_35] : memref<328x128xf32, #tpu.memory_space<vmem>> -> memref<200x128xf32, #tpu.memory_space<vmem>>
      %dma_wait3A_37 = arith.constant 0 : i32
      %dma_wait3A_38 = arith.constant 0 : i32
      %dma_wait3A_39 = tpu.memref_slice %arg4[%dma_wait3A_37, %dma_wait3A_38] : memref<256x128xf32, #tpu.memory_space<hbm>> -> memref<200x128xf32, #tpu.memory_space<hbm>>
      %dma_wait3A_40 = arith.constant 0 : i32
      %dma_wait3A_41 = arith.constant 0 : i32
      %dma_wait3A_42 = tpu.memref_slice %arg9[%dma_wait3A_40, %dma_wait3A_41] : memref<328x128xf32, #tpu.memory_space<vmem>> -> memref<200x128xf32, #tpu.memory_space<vmem>>
      %dma_wait3A_43 = arith.constant 0 : i32
      %dma_wait3A_44 = arith.constant 0 : i32
      %dma_wait3A_45 = tpu.memref_slice %arg4[%dma_wait3A_43, %dma_wait3A_44] : memref<256x128xf32, #tpu.memory_space<hbm>> -> memref<200x128xf32, #tpu.memory_space<hbm>>
      tpu.wait_dma2 semaphore(%run_scoped3A : memref<!tpu.dma_semaphore, #tpu.memory_space<semaphore_mem>>) src(%dma_wait3A_45 : memref<200x128xf32, #tpu.memory_space<hbm>>) dst(%dma_wait3A_42 : memref<200x128xf32, #tpu.memory_space<vmem>>)
      tpu.yield
    }) : () -> ()
    "tpu.region"() ({
      %run_scoped3A = tpu.sem_alloc : memref<!tpu.dma_semaphore, #tpu.memory_space<semaphore_mem>>
      %dma_start3A_22 = arith.constant 200 : i32
      %dma_start3A_23 = arith.constant 0 : i32
      %dma_start3A_24 = tpu.memref_slice %arg9[%dma_start3A_22, %dma_start3A_23] : memref<328x128xf32, #tpu.memory_space<vmem>> -> memref<128x128xf32, #tpu.memory_space<vmem>>
      %dma_start3A_25 = arith.constant 0 : i32
      %dma_start3A_26 = arith.constant 0 : i32
      %dma_start3A_27 = tpu.memref_slice %arg4[%dma_start3A_25, %dma_start3A_26] : memref<256x128xf32, #tpu.memory_space<hbm>> -> memref<128x128xf32, #tpu.memory_space<hbm>>
      %dma_start3A_28 = arith.constant 200 : i32
      %dma_start3A_29 = arith.constant 0 : i32
      %dma_start3A_30 = tpu.memref_slice %arg9[%dma_start3A_28, %dma_start3A_29] : memref<328x128xf32, #tpu.memory_space<vmem>> -> memref<128x128xf32, #tpu.memory_space<vmem>>
      %dma_start3A_31 = arith.constant 0 : i32
      %dma_start3A_32 = arith.constant 0 : i32
      %dma_start3A_33 = tpu.memref_slice %arg4[%dma_start3A_31, %dma_start3A_32] : memref<256x128xf32, #tpu.memory_space<hbm>> -> memref<128x128xf32, #tpu.memory_space<hbm>>
      tpu.enqueue_dma source(%dma_start3A_33 : memref<128x128xf32, #tpu.memory_space<hbm>>) target(%dma_start3A_30 : memref<128x128xf32, #tpu.memory_space<vmem>>) target_semaphore(%run_scoped3A : memref<!tpu.dma_semaphore, #tpu.memory_space<semaphore_mem>>)
      %dma_wait3A_34 = arith.constant 200 : i32
      %dma_wait3A_35 = arith.constant 0 : i32
      %dma_wait3A_36 = tpu.memref_slice %arg9[%dma_wait3A_34, %dma_wait3A_35] : memref<328x128xf32, #tpu.memory_space<vmem>> -> memref<128x128xf32, #tpu.memory_space<vmem>>
      %dma_wait3A_37 = arith.constant 0 : i32
      %dma_wait3A_38 = arith.constant 0 : i32
      %dma_wait3A_39 = tpu.memref_slice %arg4[%dma_wait3A_37, %dma_wait3A_38] : memref<256x128xf32, #tpu.memory_space<hbm>> -> memref<128x128xf32, #tpu.memory_space<hbm>>
      %dma_wait3A_40 = arith.constant 200 : i32
      %dma_wait3A_41 = arith.constant 0 : i32
      %dma_wait3A_42 = tpu.memref_slice %arg9[%dma_wait3A_40, %dma_wait3A_41] : memref<328x128xf32, #tpu.memory_space<vmem>> -> memref<128x128xf32, #tpu.memory_space<vmem>>
      %dma_wait3A_43 = arith.constant 0 : i32
      %dma_wait3A_44 = arith.constant 0 : i32
      %dma_wait3A_45 = tpu.memref_slice %arg4[%dma_wait3A_43, %dma_wait3A_44] : memref<256x128xf32, #tpu.memory_space<hbm>> -> memref<128x128xf32, #tpu.memory_space<hbm>>
      tpu.wait_dma2 semaphore(%run_scoped3A : memref<!tpu.dma_semaphore, #tpu.memory_space<semaphore_mem>>) src(%dma_wait3A_45 : memref<128x128xf32, #tpu.memory_space<hbm>>) dst(%dma_wait3A_42 : memref<128x128xf32, #tpu.memory_space<vmem>>)
      tpu.yield
    }) : () -> ()
    "tpu.region"() ({
      %run_scoped3A = tpu.sem_alloc : memref<!tpu.dma_semaphore, #tpu.memory_space<semaphore_mem>>
      %dma_start3A_22 = arith.constant 0 : i32
      %dma_start3A_23 = tpu.memref_slice %arg2[%mul3A_2, %dma_start3A_22] : memref<6400x128xi32, #tpu.memory_space<hbm>> -> memref<200x128xi32, #tpu.memory_space<hbm>>
      %dma_start3A_24 = arith.constant 0 : i32
      %dma_start3A_25 = tpu.memref_slice %arg2[%mul3A_2, %dma_start3A_24] : memref<6400x128xi32, #tpu.memory_space<hbm>> -> memref<200x128xi32, #tpu.memory_space<hbm>>
      tpu.enqueue_dma source(%dma_start3A_25 : memref<200x128xi32, #tpu.memory_space<hbm>>) target(%arg6 : memref<200x128xi32, #tpu.memory_space<vmem>>) target_semaphore(%run_scoped3A : memref<!tpu.dma_semaphore, #tpu.memory_space<semaphore_mem>>)
      %dma_wait3A_26 = arith.constant 0 : i32
      %dma_wait3A_27 = tpu.memref_slice %arg2[%mul3A_2, %dma_wait3A_26] : memref<6400x128xi32, #tpu.memory_space<hbm>> -> memref<200x128xi32, #tpu.memory_space<hbm>>
      %dma_wait3A_28 = arith.constant 0 : i32
      %dma_wait3A_29 = tpu.memref_slice %arg2[%mul3A_2, %dma_wait3A_28] : memref<6400x128xi32, #tpu.memory_space<hbm>> -> memref<200x128xi32, #tpu.memory_space<hbm>>
      tpu.wait_dma2 semaphore(%run_scoped3A : memref<!tpu.dma_semaphore, #tpu.memory_space<semaphore_mem>>) src(%dma_wait3A_29 : memref<200x128xi32, #tpu.memory_space<hbm>>) dst(%arg6 : memref<200x128xi32, #tpu.memory_space<vmem>>)
      tpu.yield
    }) : () -> ()
    %dma_start3A = arith.constant 0 : i32
    %dma_start3A_3 = arith.constant 0 : i32
    %dma_start3A_4 = tpu.memref_slice %arg6[%dma_start3A, %dma_start3A_3] : memref<200x128xi32, #tpu.memory_space<vmem>> -> memref<1x128xi32, #tpu.memory_space<vmem>>
    %dma_start3A_5 = tpu.memref_squeeze %dma_start3A_4 : memref<1x128xi32, #tpu.memory_space<vmem>> -> memref<128xi32, #tpu.memory_space<vmem>>
    %dma_start3A_6 = arith.constant 0 : i32
    %dma_start3A_7 = arith.constant 0 : i32
    %dma_start3A_8 = tpu.memref_slice %arg3[%dma_start3A_6, %dma_start3A_7] : memref<1000x128xf32, #tpu.memory_space<hbm>> -> memref<1000x128xf32, #tpu.memory_space<hbm>>
    tpu.enqueue_indirect_dma source(%dma_start3A_8 : memref<1000x128xf32, #tpu.memory_space<hbm>>) target(%arg7 : memref<128x128xf32, #tpu.memory_space<vmem>>) offsets(%dma_start3A_5 : memref<128xi32, #tpu.memory_space<vmem>>) semaphore(%arg10 : memref<!tpu.dma_semaphore, #tpu.memory_space<semaphore_mem>>)
    %scan3A = arith.constant 0 : i32
    %scan3A_9 = arith.constant 0 : i32
    %scan3A_10 = arith.constant 100 : i32
    %scan3A_11 = arith.addi %scan3A_9, %scan3A_10 : i32
    %scan3A_12 = arith.constant 1 : i32
    %scan3A_13 = scf.for %scan3A_22 = %scan3A_9 to %scan3A_11 step %scan3A_12 iter_args(%scan3A_23 = %scan3A) -> (i32)  : i32 {
      %mul3A_24 = arith.constant 2 : i32
      %mul3A_25 = arith.muli %mul3A_24, %scan3A_22 : i32
      %add3A_26 = arith.constant 1 : i32
      %add3A_27 = arith.addi %mul3A_25, %add3A_26 : i32
      %gt3A = arith.constant 0 : i32
      %gt3A_28 = arith.cmpi sgt, %scan3A_22, %gt3A : i32
      %convert_element_type3A = arith.extui %gt3A_28 : i1 to i32
      %cond3A = arith.constant 0 : i32
      %cond3A_29 = arith.cmpi ne, %convert_element_type3A, %cond3A : i32
      scf.if %cond3A_29 {
        %sub3A = arith.constant 2 : i32
        %sub3A_88 = arith.subi %add3A_27, %sub3A : i32
        %add3A_89 = arith.addi %mul3A_2, %sub3A_88 : i32
        %mul3A_90 = arith.constant 128 : i32
        %mul3A_91 = arith.muli %add3A_89, %mul3A_90 : i32
        %dma_wait3A_92 = arith.constant 0 : i32
        %dma_wait3A_93 = tpu.memref_slice %arg5[%mul3A_91, %dma_wait3A_92] : memref<819200x128xf32, #tpu.memory_space<hbm>> -> memref<128x128xf32, #tpu.memory_space<hbm>>
        %dma_wait3A_94 = arith.constant 0 : i32
        %dma_wait3A_95 = tpu.memref_slice %arg5[%mul3A_91, %dma_wait3A_94] : memref<819200x128xf32, #tpu.memory_space<hbm>> -> memref<128x128xf32, #tpu.memory_space<hbm>>
        tpu.wait_dma2 semaphore(%arg13 : memref<!tpu.dma_semaphore, #tpu.memory_space<semaphore_mem>>) src(%arg8 : memref<128x128xf32, #tpu.memory_space<vmem>>) dst(%dma_wait3A_95 : memref<128x128xf32, #tpu.memory_space<hbm>>)
      } else {
      }
      %dma_start3A_30 = arith.constant 0 : i32
      %dma_start3A_31 = tpu.memref_slice %arg6[%add3A_27, %dma_start3A_30] : memref<200x128xi32, #tpu.memory_space<vmem>> -> memref<1x128xi32, #tpu.memory_space<vmem>>
      %dma_start3A_32 = tpu.memref_squeeze %dma_start3A_31 : memref<1x128xi32, #tpu.memory_space<vmem>> -> memref<128xi32, #tpu.memory_space<vmem>>
      %dma_start3A_33 = arith.constant 0 : i32
      %dma_start3A_34 = arith.constant 0 : i32
      %dma_start3A_35 = tpu.memref_slice %arg3[%dma_start3A_33, %dma_start3A_34] : memref<1000x128xf32, #tpu.memory_space<hbm>> -> memref<1000x128xf32, #tpu.memory_space<hbm>>
      tpu.enqueue_indirect_dma source(%dma_start3A_35 : memref<1000x128xf32, #tpu.memory_space<hbm>>) target(%arg8 : memref<128x128xf32, #tpu.memory_space<vmem>>) offsets(%dma_start3A_32 : memref<128xi32, #tpu.memory_space<vmem>>) semaphore(%arg11 : memref<!tpu.dma_semaphore, #tpu.memory_space<semaphore_mem>>)
      %dma_wait3A_36 = arith.constant 0 : i32
      %dma_wait3A_37 = tpu.memref_slice %arg6[%mul3A_25, %dma_wait3A_36] : memref<200x128xi32, #tpu.memory_space<vmem>> -> memref<1x128xi32, #tpu.memory_space<vmem>>
      %dma_wait3A_38 = tpu.memref_squeeze %dma_wait3A_37 : memref<1x128xi32, #tpu.memory_space<vmem>> -> memref<128xi32, #tpu.memory_space<vmem>>
      %dma_wait3A_39 = arith.constant 0 : i32
      %dma_wait3A_40 = arith.constant 0 : i32
      %dma_wait3A_41 = tpu.memref_slice %arg3[%dma_wait3A_39, %dma_wait3A_40] : memref<1000x128xf32, #tpu.memory_space<hbm>> -> memref<1000x128xf32, #tpu.memory_space<hbm>>
      tpu.wait_indirect_dma semaphore(%arg10 : memref<!tpu.dma_semaphore, #tpu.memory_space<semaphore_mem>>) src(%dma_wait3A_41 : memref<1000x128xf32, #tpu.memory_space<hbm>>) dst(%arg7 : memref<128x128xf32, #tpu.memory_space<vmem>>)
      %mul3A_42 = arith.constant 128 : i32
      %mul3A_43 = arith.muli %mul3A_25, %mul3A_42 : i32
      %rem3A = arith.constant 200 : i32
      %rem3A_44 = arith.remsi %mul3A_43, %rem3A : i32
      %parallel_loop3A = arith.constant 0 : i32
      %parallel_loop3A_45 = arith.constant 128 : i32
      %parallel_loop3A_46 = arith.constant 1 : i32
      scf.for %parallel_loop3A_88 = %parallel_loop3A to %parallel_loop3A_45 step %parallel_loop3A_46  : i32 {
        %parallel_loop3A_89 = arith.addi %rem3A_44, %parallel_loop3A_88 : i32
        %parallel_loop3A_90 = arith.index_cast %parallel_loop3A_88 : i32 to index
        %parallel_loop3A_91 = arith.constant 0 : index
        %parallel_loop3A_92 = tpu.vector_load %arg7[%parallel_loop3A_90, %parallel_loop3A_91] {strides = array<i32>} : memref<128x128xf32, #tpu.memory_space<vmem>>, vector<1x16xf32>,
        %parallel_loop3A_93 = vector.shape_cast %parallel_loop3A_92 : vector<1x16xf32> to vector<16xf32>
        %parallel_loop3A_94 = arith.index_cast %parallel_loop3A_89 : i32 to index
        %parallel_loop3A_95 = arith.constant 0 : index
        %parallel_loop3A_96 = tpu.vector_load %arg9[%parallel_loop3A_94, %parallel_loop3A_95] {strides = array<i32>} : memref<328x128xf32, #tpu.memory_space<vmem>>, vector<1x16xf32>,
        %parallel_loop3A_97 = vector.shape_cast %parallel_loop3A_96 : vector<1x16xf32> to vector<16xf32>
        %parallel_loop3A_98 = arith.addf %parallel_loop3A_93, %parallel_loop3A_97 : vector<16xf32>
        %parallel_loop3A_99 = arith.index_cast %parallel_loop3A_88 : i32 to index
        %parallel_loop3A_100 = arith.constant 0 : index
        %parallel_loop3A_101 = tpu.vector_load %arg7[%parallel_loop3A_99, %parallel_loop3A_100] {strides = array<i32>} : memref<128x128xf32, #tpu.memory_space<vmem>>, vector<1x16xf32>,
        %parallel_loop3A_102 = vector.shape_cast %parallel_loop3A_101 : vector<1x16xf32> to vector<16xf32>
        %parallel_loop3A_103 = vector.shape_cast %parallel_loop3A_98 : vector<16xf32> to vector<1x16xf32>
        tpu.vector_store %arg7[%parallel_loop3A_99, %parallel_loop3A_100], %parallel_loop3A_103 {strides = array<i32>} : memref<128x128xf32, #tpu.memory_space<vmem>>, vector<1x16xf32>,
        %parallel_loop3A_104 = arith.index_cast %parallel_loop3A_88 : i32 to index
        %parallel_loop3A_105 = arith.constant 16 : index
        %parallel_loop3A_106 = tpu.vector_load %arg7[%parallel_loop3A_104, %parallel_loop3A_105] {strides = array<i32>} : memref<128x128xf32, #tpu.memory_space<vmem>>, vector<1x16xf32>,
        %parallel_loop3A_107 = vector.shape_cast %parallel_loop3A_106 : vector<1x16xf32> to vector<16xf32>
        %parallel_loop3A_108 = arith.index_cast %parallel_loop3A_89 : i32 to index
        %parallel_loop3A_109 = arith.constant 16 : index
        %parallel_loop3A_110 = tpu.vector_load %arg9[%parallel_loop3A_108, %parallel_loop3A_109] {strides = array<i32>} : memref<328x128xf32, #tpu.memory_space<vmem>>, vector<1x16xf32>,
        %parallel_loop3A_111 = vector.shape_cast %parallel_loop3A_110 : vector<1x16xf32> to vector<16xf32>
        %parallel_loop3A_112 = arith.addf %parallel_loop3A_107, %parallel_loop3A_111 : vector<16xf32>
        %parallel_loop3A_113 = arith.index_cast %parallel_loop3A_88 : i32 to index
        %parallel_loop3A_114 = arith.constant 16 : index
        %parallel_loop3A_115 = tpu.vector_load %arg7[%parallel_loop3A_113, %parallel_loop3A_114] {strides = array<i32>} : memref<128x128xf32, #tpu.memory_space<vmem>>, vector<1x16xf32>,
        %parallel_loop3A_116 = vector.shape_cast %parallel_loop3A_115 : vector<1x16xf32> to vector<16xf32>
        %parallel_loop3A_117 = vector.shape_cast %parallel_loop3A_112 : vector<16xf32> to vector<1x16xf32>
        tpu.vector_store %arg7[%parallel_loop3A_113, %parallel_loop3A_114], %parallel_loop3A_117 {strides = array<i32>} : memref<128x128xf32, #tpu.memory_space<vmem>>, vector<1x16xf32>,
        %parallel_loop3A_118 = arith.index_cast %parallel_loop3A_88 : i32 to index
        %parallel_loop3A_119 = arith.constant 32 : index
        %parallel_loop3A_120 = tpu.vector_load %arg7[%parallel_loop3A_118, %parallel_loop3A_119] {strides = array<i32>} : memref<128x128xf32, #tpu.memory_space<vmem>>, vector<1x16xf32>,
        %parallel_loop3A_121 = vector.shape_cast %parallel_loop3A_120 : vector<1x16xf32> to vector<16xf32>
        %parallel_loop3A_122 = arith.index_cast %parallel_loop3A_89 : i32 to index
        %parallel_loop3A_123 = arith.constant 32 : index
        %parallel_loop3A_124 = tpu.vector_load %arg9[%parallel_loop3A_122, %parallel_loop3A_123] {strides = array<i32>} : memref<328x128xf32, #tpu.memory_space<vmem>>, vector<1x16xf32>,
        %parallel_loop3A_125 = vector.shape_cast %parallel_loop3A_124 : vector<1x16xf32> to vector<16xf32>
        %parallel_loop3A_126 = arith.addf %parallel_loop3A_121, %parallel_loop3A_125 : vector<16xf32>
        %parallel_loop3A_127 = arith.index_cast %parallel_loop3A_88 : i32 to index
        %parallel_loop3A_128 = arith.constant 32 : index
        %parallel_loop3A_129 = tpu.vector_load %arg7[%parallel_loop3A_127, %parallel_loop3A_128] {strides = array<i32>} : memref<128x128xf32, #tpu.memory_space<vmem>>, vector<1x16xf32>,
        %parallel_loop3A_130 = vector.shape_cast %parallel_loop3A_129 : vector<1x16xf32> to vector<16xf32>
        %parallel_loop3A_131 = vector.shape_cast %parallel_loop3A_126 : vector<16xf32> to vector<1x16xf32>
        tpu.vector_store %arg7[%parallel_loop3A_127, %parallel_loop3A_128], %parallel_loop3A_131 {strides = array<i32>} : memref<128x128xf32, #tpu.memory_space<vmem>>, vector<1x16xf32>,
        %parallel_loop3A_132 = arith.index_cast %parallel_loop3A_88 : i32 to index
        %parallel_loop3A_133 = arith.constant 48 : index
        %parallel_loop3A_134 = tpu.vector_load %arg7[%parallel_loop3A_132, %parallel_loop3A_133] {strides = array<i32>} : memref<128x128xf32, #tpu.memory_space<vmem>>, vector<1x16xf32>,
        %parallel_loop3A_135 = vector.shape_cast %parallel_loop3A_134 : vector<1x16xf32> to vector<16xf32>
        %parallel_loop3A_136 = arith.index_cast %parallel_loop3A_89 : i32 to index
        %parallel_loop3A_137 = arith.constant 48 : index
        %parallel_loop3A_138 = tpu.vector_load %arg9[%parallel_loop3A_136, %parallel_loop3A_137] {strides = array<i32>} : memref<328x128xf32, #tpu.memory_space<vmem>>, vector<1x16xf32>,
        %parallel_loop3A_139 = vector.shape_cast %parallel_loop3A_138 : vector<1x16xf32> to vector<16xf32>
        %parallel_loop3A_140 = arith.addf %parallel_loop3A_135, %parallel_loop3A_139 : vector<16xf32>
        %parallel_loop3A_141 = arith.index_cast %parallel_loop3A_88 : i32 to index
        %parallel_loop3A_142 = arith.constant 48 : index
        %parallel_loop3A_143 = tpu.vector_load %arg7[%parallel_loop3A_141, %parallel_loop3A_142] {strides = array<i32>} : memref<128x128xf32, #tpu.memory_space<vmem>>, vector<1x16xf32>,
        %parallel_loop3A_144 = vector.shape_cast %parallel_loop3A_143 : vector<1x16xf32> to vector<16xf32>
        %parallel_loop3A_145 = vector.shape_cast %parallel_loop3A_140 : vector<16xf32> to vector<1x16xf32>
        tpu.vector_store %arg7[%parallel_loop3A_141, %parallel_loop3A_142], %parallel_loop3A_145 {strides = array<i32>} : memref<128x128xf32, #tpu.memory_space<vmem>>, vector<1x16xf32>,
        %parallel_loop3A_146 = arith.index_cast %parallel_loop3A_88 : i32 to index
        %parallel_loop3A_147 = arith.constant 64 : index
        %parallel_loop3A_148 = tpu.vector_load %arg7[%parallel_loop3A_146, %parallel_loop3A_147] {strides = array<i32>} : memref<128x128xf32, #tpu.memory_space<vmem>>, vector<1x16xf32>,
        %parallel_loop3A_149 = vector.shape_cast %parallel_loop3A_148 : vector<1x16xf32> to vector<16xf32>
        %parallel_loop3A_150 = arith.index_cast %parallel_loop3A_89 : i32 to index
        %parallel_loop3A_151 = arith.constant 64 : index
        %parallel_loop3A_152 = tpu.vector_load %arg9[%parallel_loop3A_150, %parallel_loop3A_151] {strides = array<i32>} : memref<328x128xf32, #tpu.memory_space<vmem>>, vector<1x16xf32>,
        %parallel_loop3A_153 = vector.shape_cast %parallel_loop3A_152 : vector<1x16xf32> to vector<16xf32>
        %parallel_loop3A_154 = arith.addf %parallel_loop3A_149, %parallel_loop3A_153 : vector<16xf32>
        %parallel_loop3A_155 = arith.index_cast %parallel_loop3A_88 : i32 to index
        %parallel_loop3A_156 = arith.constant 64 : index
        %parallel_loop3A_157 = tpu.vector_load %arg7[%parallel_loop3A_155, %parallel_loop3A_156] {strides = array<i32>} : memref<128x128xf32, #tpu.memory_space<vmem>>, vector<1x16xf32>,
        %parallel_loop3A_158 = vector.shape_cast %parallel_loop3A_157 : vector<1x16xf32> to vector<16xf32>
        %parallel_loop3A_159 = vector.shape_cast %parallel_loop3A_154 : vector<16xf32> to vector<1x16xf32>
        tpu.vector_store %arg7[%parallel_loop3A_155, %parallel_loop3A_156], %parallel_loop3A_159 {strides = array<i32>} : memref<128x128xf32, #tpu.memory_space<vmem>>, vector<1x16xf32>,
        %parallel_loop3A_160 = arith.index_cast %parallel_loop3A_88 : i32 to index
        %parallel_loop3A_161 = arith.constant 80 : index
        %parallel_loop3A_162 = tpu.vector_load %arg7[%parallel_loop3A_160, %parallel_loop3A_161] {strides = array<i32>} : memref<128x128xf32, #tpu.memory_space<vmem>>, vector<1x16xf32>,
        %parallel_loop3A_163 = vector.shape_cast %parallel_loop3A_162 : vector<1x16xf32> to vector<16xf32>
        %parallel_loop3A_164 = arith.index_cast %parallel_loop3A_89 : i32 to index
        %parallel_loop3A_165 = arith.constant 80 : index
        %parallel_loop3A_166 = tpu.vector_load %arg9[%parallel_loop3A_164, %parallel_loop3A_165] {strides = array<i32>} : memref<328x128xf32, #tpu.memory_space<vmem>>, vector<1x16xf32>,
        %parallel_loop3A_167 = vector.shape_cast %parallel_loop3A_166 : vector<1x16xf32> to vector<16xf32>
        %parallel_loop3A_168 = arith.addf %parallel_loop3A_163, %parallel_loop3A_167 : vector<16xf32>
        %parallel_loop3A_169 = arith.index_cast %parallel_loop3A_88 : i32 to index
        %parallel_loop3A_170 = arith.constant 80 : index
        %parallel_loop3A_171 = tpu.vector_load %arg7[%parallel_loop3A_169, %parallel_loop3A_170] {strides = array<i32>} : memref<128x128xf32, #tpu.memory_space<vmem>>, vector<1x16xf32>,
        %parallel_loop3A_172 = vector.shape_cast %parallel_loop3A_171 : vector<1x16xf32> to vector<16xf32>
        %parallel_loop3A_173 = vector.shape_cast %parallel_loop3A_168 : vector<16xf32> to vector<1x16xf32>
        tpu.vector_store %arg7[%parallel_loop3A_169, %parallel_loop3A_170], %parallel_loop3A_173 {strides = array<i32>} : memref<128x128xf32, #tpu.memory_space<vmem>>, vector<1x16xf32>,
        %parallel_loop3A_174 = arith.index_cast %parallel_loop3A_88 : i32 to index
        %parallel_loop3A_175 = arith.constant 96 : index
        %parallel_loop3A_176 = tpu.vector_load %arg7[%parallel_loop3A_174, %parallel_loop3A_175] {strides = array<i32>} : memref<128x128xf32, #tpu.memory_space<vmem>>, vector<1x16xf32>,
        %parallel_loop3A_177 = vector.shape_cast %parallel_loop3A_176 : vector<1x16xf32> to vector<16xf32>
        %parallel_loop3A_178 = arith.index_cast %parallel_loop3A_89 : i32 to index
        %parallel_loop3A_179 = arith.constant 96 : index
        %parallel_loop3A_180 = tpu.vector_load %arg9[%parallel_loop3A_178, %parallel_loop3A_179] {strides = array<i32>} : memref<328x128xf32, #tpu.memory_space<vmem>>, vector<1x16xf32>,
        %parallel_loop3A_181 = vector.shape_cast %parallel_loop3A_180 : vector<1x16xf32> to vector<16xf32>
        %parallel_loop3A_182 = arith.addf %parallel_loop3A_177, %parallel_loop3A_181 : vector<16xf32>
        %parallel_loop3A_183 = arith.index_cast %parallel_loop3A_88 : i32 to index
        %parallel_loop3A_184 = arith.constant 96 : index
        %parallel_loop3A_185 = tpu.vector_load %arg7[%parallel_loop3A_183, %parallel_loop3A_184] {strides = array<i32>} : memref<128x128xf32, #tpu.memory_space<vmem>>, vector<1x16xf32>,
        %parallel_loop3A_186 = vector.shape_cast %parallel_loop3A_185 : vector<1x16xf32> to vector<16xf32>
        %parallel_loop3A_187 = vector.shape_cast %parallel_loop3A_182 : vector<16xf32> to vector<1x16xf32>
        tpu.vector_store %arg7[%parallel_loop3A_183, %parallel_loop3A_184], %parallel_loop3A_187 {strides = array<i32>} : memref<128x128xf32, #tpu.memory_space<vmem>>, vector<1x16xf32>,
        %parallel_loop3A_188 = arith.index_cast %parallel_loop3A_88 : i32 to index
        %parallel_loop3A_189 = arith.constant 112 : index
        %parallel_loop3A_190 = tpu.vector_load %arg7[%parallel_loop3A_188, %parallel_loop3A_189] {strides = array<i32>} : memref<128x128xf32, #tpu.memory_space<vmem>>, vector<1x16xf32>,
        %parallel_loop3A_191 = vector.shape_cast %parallel_loop3A_190 : vector<1x16xf32> to vector<16xf32>
        %parallel_loop3A_192 = arith.index_cast %parallel_loop3A_89 : i32 to index
        %parallel_loop3A_193 = arith.constant 112 : index
        %parallel_loop3A_194 = tpu.vector_load %arg9[%parallel_loop3A_192, %parallel_loop3A_193] {strides = array<i32>} : memref<328x128xf32, #tpu.memory_space<vmem>>, vector<1x16xf32>,
        %parallel_loop3A_195 = vector.shape_cast %parallel_loop3A_194 : vector<1x16xf32> to vector<16xf32>
        %parallel_loop3A_196 = arith.addf %parallel_loop3A_191, %parallel_loop3A_195 : vector<16xf32>
        %parallel_loop3A_197 = arith.index_cast %parallel_loop3A_88 : i32 to index
        %parallel_loop3A_198 = arith.constant 112 : index
        %parallel_loop3A_199 = tpu.vector_load %arg7[%parallel_loop3A_197, %parallel_loop3A_198] {strides = array<i32>} : memref<128x128xf32, #tpu.memory_space<vmem>>, vector<1x16xf32>,
        %parallel_loop3A_200 = vector.shape_cast %parallel_loop3A_199 : vector<1x16xf32> to vector<16xf32>
        %parallel_loop3A_201 = vector.shape_cast %parallel_loop3A_196 : vector<16xf32> to vector<1x16xf32>
        tpu.vector_store %arg7[%parallel_loop3A_197, %parallel_loop3A_198], %parallel_loop3A_201 {strides = array<i32>} : memref<128x128xf32, #tpu.memory_space<vmem>>, vector<1x16xf32>,
      } {sc.loop_unroll_factor = 4 : i64, sc.parallel_access}
      %add3A_47 = arith.addi %mul3A_2, %mul3A_25 : i32
      %mul3A_48 = arith.constant 128 : i32
      %mul3A_49 = arith.muli %add3A_47, %mul3A_48 : i32
      %dma_start3A_50 = arith.constant 0 : i32
      %dma_start3A_51 = tpu.memref_slice %arg5[%mul3A_49, %dma_start3A_50] : memref<819200x128xf32, #tpu.memory_space<hbm>> -> memref<128x128xf32, #tpu.memory_space<hbm>>
      %dma_start3A_52 = arith.constant 0 : i32
      %dma_start3A_53 = tpu.memref_slice %arg5[%mul3A_49, %dma_start3A_52] : memref<819200x128xf32, #tpu.memory_space<hbm>> -> memref<128x128xf32, #tpu.memory_space<hbm>>
      tpu.enqueue_dma source(%arg7 : memref<128x128xf32, #tpu.memory_space<vmem>>) target(%dma_start3A_53 : memref<128x128xf32, #tpu.memory_space<hbm>>) target_semaphore(%arg12 : memref<!tpu.dma_semaphore, #tpu.memory_space<semaphore_mem>>)
      %dma_wait3A_54 = arith.constant 0 : i32
      %dma_wait3A_55 = tpu.memref_slice %arg6[%add3A_27, %dma_wait3A_54] : memref<200x128xi32, #tpu.memory_space<vmem>> -> memref<1x128xi32, #tpu.memory_space<vmem>>
      %dma_wait3A_56 = tpu.memref_squeeze %dma_wait3A_55 : memref<1x128xi32, #tpu.memory_space<vmem>> -> memref<128xi32, #tpu.memory_space<vmem>>
      %dma_wait3A_57 = arith.constant 0 : i32
      %dma_wait3A_58 = arith.constant 0 : i32
      %dma_wait3A_59 = tpu.memref_slice %arg3[%dma_wait3A_57, %dma_wait3A_58] : memref<1000x128xf32, #tpu.memory_space<hbm>> -> memref<1000x128xf32, #tpu.memory_space<hbm>>
      tpu.wait_indirect_dma semaphore(%arg11 : memref<!tpu.dma_semaphore, #tpu.memory_space<semaphore_mem>>) src(%dma_wait3A_59 : memref<1000x128xf32, #tpu.memory_space<hbm>>) dst(%arg8 : memref<128x128xf32, #tpu.memory_space<vmem>>)
      %add3A_60 = arith.addi %mul3A_2, %mul3A_25 : i32
      %mul3A_61 = arith.constant 128 : i32
      %mul3A_62 = arith.muli %add3A_60, %mul3A_61 : i32
      %dma_wait3A_63 = arith.constant 0 : i32
      %dma_wait3A_64 = tpu.memref_slice %arg5[%mul3A_62, %dma_wait3A_63] : memref<819200x128xf32, #tpu.memory_space<hbm>> -> memref<128x128xf32, #tpu.memory_space<hbm>>
      %dma_wait3A_65 = arith.constant 0 : i32
      %dma_wait3A_66 = tpu.memref_slice %arg5[%mul3A_62, %dma_wait3A_65] : memref<819200x128xf32, #tpu.memory_space<hbm>> -> memref<128x128xf32, #tpu.memory_space<hbm>>
      tpu.wait_dma2 semaphore(%arg12 : memref<!tpu.dma_semaphore, #tpu.memory_space<semaphore_mem>>) src(%arg7 : memref<128x128xf32, #tpu.memory_space<vmem>>) dst(%dma_wait3A_66 : memref<128x128xf32, #tpu.memory_space<hbm>>)
      %add3A_67 = arith.constant 1 : i32
      %add3A_68 = arith.addi %scan3A_22, %add3A_67 : i32
      %lt3A = arith.constant 100 : i32
      %lt3A_69 = arith.cmpi slt, %add3A_68, %lt3A : i32
      %convert_element_type3A_70 = arith.extui %lt3A_69 : i1 to i32
      %cond3A_71 = arith.constant 0 : i32
      %cond3A_72 = arith.cmpi ne, %convert_element_type3A_70, %cond3A_71 : i32
      scf.if %cond3A_72 {
        %add3A_88 = arith.constant 2 : i32
        %add3A_89 = arith.addi %mul3A_25, %add3A_88 : i32
        %dma_start3A_90 = arith.constant 0 : i32
        %dma_start3A_91 = tpu.memref_slice %arg6[%add3A_89, %dma_start3A_90] : memref<200x128xi32, #tpu.memory_space<vmem>> -> memref<1x128xi32, #tpu.memory_space<vmem>>
        %dma_start3A_92 = tpu.memref_squeeze %dma_start3A_91 : memref<1x128xi32, #tpu.memory_space<vmem>> -> memref<128xi32, #tpu.memory_space<vmem>>
        %dma_start3A_93 = arith.constant 0 : i32
        %dma_start3A_94 = arith.constant 0 : i32
        %dma_start3A_95 = tpu.memref_slice %arg3[%dma_start3A_93, %dma_start3A_94] : memref<1000x128xf32, #tpu.memory_space<hbm>> -> memref<1000x128xf32, #tpu.memory_space<hbm>>
        tpu.enqueue_indirect_dma source(%dma_start3A_95 : memref<1000x128xf32, #tpu.memory_space<hbm>>) target(%arg7 : memref<128x128xf32, #tpu.memory_space<vmem>>) offsets(%dma_start3A_92 : memref<128xi32, #tpu.memory_space<vmem>>) semaphore(%arg10 : memref<!tpu.dma_semaphore, #tpu.memory_space<semaphore_mem>>)
      } else {
      }
      %mul3A_73 = arith.constant 128 : i32
      %mul3A_74 = arith.muli %add3A_27, %mul3A_73 : i32
      %rem3A_75 = arith.constant 200 : i32
      %rem3A_76 = arith.remsi %mul3A_74, %rem3A_75 : i32
      %parallel_loop3A_77 = arith.constant 0 : i32
      %parallel_loop3A_78 = arith.constant 128 : i32
      %parallel_loop3A_79 = arith.constant 1 : i32
      scf.for %parallel_loop3A_88 = %parallel_loop3A_77 to %parallel_loop3A_78 step %parallel_loop3A_79  : i32 {
        %parallel_loop3A_89 = arith.addi %rem3A_76, %parallel_loop3A_88 : i32
        %parallel_loop3A_90 = arith.index_cast %parallel_loop3A_88 : i32 to index
        %parallel_loop3A_91 = arith.constant 0 : index
        %parallel_loop3A_92 = tpu.vector_load %arg8[%parallel_loop3A_90, %parallel_loop3A_91] {strides = array<i32>} : memref<128x128xf32, #tpu.memory_space<vmem>>, vector<1x16xf32>,
        %parallel_loop3A_93 = vector.shape_cast %parallel_loop3A_92 : vector<1x16xf32> to vector<16xf32>
        %parallel_loop3A_94 = arith.index_cast %parallel_loop3A_89 : i32 to index
        %parallel_loop3A_95 = arith.constant 0 : index
        %parallel_loop3A_96 = tpu.vector_load %arg9[%parallel_loop3A_94, %parallel_loop3A_95] {strides = array<i32>} : memref<328x128xf32, #tpu.memory_space<vmem>>, vector<1x16xf32>,
        %parallel_loop3A_97 = vector.shape_cast %parallel_loop3A_96 : vector<1x16xf32> to vector<16xf32>
        %parallel_loop3A_98 = arith.addf %parallel_loop3A_93, %parallel_loop3A_97 : vector<16xf32>
        %parallel_loop3A_99 = arith.index_cast %parallel_loop3A_88 : i32 to index
        %parallel_loop3A_100 = arith.constant 0 : index
        %parallel_loop3A_101 = tpu.vector_load %arg8[%parallel_loop3A_99, %parallel_loop3A_100] {strides = array<i32>} : memref<128x128xf32, #tpu.memory_space<vmem>>, vector<1x16xf32>,
        %parallel_loop3A_102 = vector.shape_cast %parallel_loop3A_101 : vector<1x16xf32> to vector<16xf32>
        %parallel_loop3A_103 = vector.shape_cast %parallel_loop3A_98 : vector<16xf32> to vector<1x16xf32>
        tpu.vector_store %arg8[%parallel_loop3A_99, %parallel_loop3A_100], %parallel_loop3A_103 {strides = array<i32>} : memref<128x128xf32, #tpu.memory_space<vmem>>, vector<1x16xf32>,
        %parallel_loop3A_104 = arith.index_cast %parallel_loop3A_88 : i32 to index
        %parallel_loop3A_105 = arith.constant 16 : index
        %parallel_loop3A_106 = tpu.vector_load %arg8[%parallel_loop3A_104, %parallel_loop3A_105] {strides = array<i32>} : memref<128x128xf32, #tpu.memory_space<vmem>>, vector<1x16xf32>,
        %parallel_loop3A_107 = vector.shape_cast %parallel_loop3A_106 : vector<1x16xf32> to vector<16xf32>
        %parallel_loop3A_108 = arith.index_cast %parallel_loop3A_89 : i32 to index
        %parallel_loop3A_109 = arith.constant 16 : index
        %parallel_loop3A_110 = tpu.vector_load %arg9[%parallel_loop3A_108, %parallel_loop3A_109] {strides = array<i32>} : memref<328x128xf32, #tpu.memory_space<vmem>>, vector<1x16xf32>,
        %parallel_loop3A_111 = vector.shape_cast %parallel_loop3A_110 : vector<1x16xf32> to vector<16xf32>
        %parallel_loop3A_112 = arith.addf %parallel_loop3A_107, %parallel_loop3A_111 : vector<16xf32>
        %parallel_loop3A_113 = arith.index_cast %parallel_loop3A_88 : i32 to index
        %parallel_loop3A_114 = arith.constant 16 : index
        %parallel_loop3A_115 = tpu.vector_load %arg8[%parallel_loop3A_113, %parallel_loop3A_114] {strides = array<i32>} : memref<128x128xf32, #tpu.memory_space<vmem>>, vector<1x16xf32>,
        %parallel_loop3A_116 = vector.shape_cast %parallel_loop3A_115 : vector<1x16xf32> to vector<16xf32>
        %parallel_loop3A_117 = vector.shape_cast %parallel_loop3A_112 : vector<16xf32> to vector<1x16xf32>
        tpu.vector_store %arg8[%parallel_loop3A_113, %parallel_loop3A_114], %parallel_loop3A_117 {strides = array<i32>} : memref<128x128xf32, #tpu.memory_space<vmem>>, vector<1x16xf32>,
        %parallel_loop3A_118 = arith.index_cast %parallel_loop3A_88 : i32 to index
        %parallel_loop3A_119 = arith.constant 32 : index
        %parallel_loop3A_120 = tpu.vector_load %arg8[%parallel_loop3A_118, %parallel_loop3A_119] {strides = array<i32>} : memref<128x128xf32, #tpu.memory_space<vmem>>, vector<1x16xf32>,
        %parallel_loop3A_121 = vector.shape_cast %parallel_loop3A_120 : vector<1x16xf32> to vector<16xf32>
        %parallel_loop3A_122 = arith.index_cast %parallel_loop3A_89 : i32 to index
        %parallel_loop3A_123 = arith.constant 32 : index
        %parallel_loop3A_124 = tpu.vector_load %arg9[%parallel_loop3A_122, %parallel_loop3A_123] {strides = array<i32>} : memref<328x128xf32, #tpu.memory_space<vmem>>, vector<1x16xf32>,
        %parallel_loop3A_125 = vector.shape_cast %parallel_loop3A_124 : vector<1x16xf32> to vector<16xf32>
        %parallel_loop3A_126 = arith.addf %parallel_loop3A_121, %parallel_loop3A_125 : vector<16xf32>
        %parallel_loop3A_127 = arith.index_cast %parallel_loop3A_88 : i32 to index
        %parallel_loop3A_128 = arith.constant 32 : index
        %parallel_loop3A_129 = tpu.vector_load %arg8[%parallel_loop3A_127, %parallel_loop3A_128] {strides = array<i32>} : memref<128x128xf32, #tpu.memory_space<vmem>>, vector<1x16xf32>,
        %parallel_loop3A_130 = vector.shape_cast %parallel_loop3A_129 : vector<1x16xf32> to vector<16xf32>
        %parallel_loop3A_131 = vector.shape_cast %parallel_loop3A_126 : vector<16xf32> to vector<1x16xf32>
        tpu.vector_store %arg8[%parallel_loop3A_127, %parallel_loop3A_128], %parallel_loop3A_131 {strides = array<i32>} : memref<128x128xf32, #tpu.memory_space<vmem>>, vector<1x16xf32>,
        %parallel_loop3A_132 = arith.index_cast %parallel_loop3A_88 : i32 to index
        %parallel_loop3A_133 = arith.constant 48 : index
        %parallel_loop3A_134 = tpu.vector_load %arg8[%parallel_loop3A_132, %parallel_loop3A_133] {strides = array<i32>} : memref<128x128xf32, #tpu.memory_space<vmem>>, vector<1x16xf32>,
        %parallel_loop3A_135 = vector.shape_cast %parallel_loop3A_134 : vector<1x16xf32> to vector<16xf32>
        %parallel_loop3A_136 = arith.index_cast %parallel_loop3A_89 : i32 to index
        %parallel_loop3A_137 = arith.constant 48 : index
        %parallel_loop3A_138 = tpu.vector_load %arg9[%parallel_loop3A_136, %parallel_loop3A_137] {strides = array<i32>} : memref<328x128xf32, #tpu.memory_space<vmem>>, vector<1x16xf32>,
        %parallel_loop3A_139 = vector.shape_cast %parallel_loop3A_138 : vector<1x16xf32> to vector<16xf32>
        %parallel_loop3A_140 = arith.addf %parallel_loop3A_135, %parallel_loop3A_139 : vector<16xf32>
        %parallel_loop3A_141 = arith.index_cast %parallel_loop3A_88 : i32 to index
        %parallel_loop3A_142 = arith.constant 48 : index
        %parallel_loop3A_143 = tpu.vector_load %arg8[%parallel_loop3A_141, %parallel_loop3A_142] {strides = array<i32>} : memref<128x128xf32, #tpu.memory_space<vmem>>, vector<1x16xf32>,
        %parallel_loop3A_144 = vector.shape_cast %parallel_loop3A_143 : vector<1x16xf32> to vector<16xf32>
        %parallel_loop3A_145 = vector.shape_cast %parallel_loop3A_140 : vector<16xf32> to vector<1x16xf32>
        tpu.vector_store %arg8[%parallel_loop3A_141, %parallel_loop3A_142], %parallel_loop3A_145 {strides = array<i32>} : memref<128x128xf32, #tpu.memory_space<vmem>>, vector<1x16xf32>,
        %parallel_loop3A_146 = arith.index_cast %parallel_loop3A_88 : i32 to index
        %parallel_loop3A_147 = arith.constant 64 : index
        %parallel_loop3A_148 = tpu.vector_load %arg8[%parallel_loop3A_146, %parallel_loop3A_147] {strides = array<i32>} : memref<128x128xf32, #tpu.memory_space<vmem>>, vector<1x16xf32>,
        %parallel_loop3A_149 = vector.shape_cast %parallel_loop3A_148 : vector<1x16xf32> to vector<16xf32>
        %parallel_loop3A_150 = arith.index_cast %parallel_loop3A_89 : i32 to index
        %parallel_loop3A_151 = arith.constant 64 : index
        %parallel_loop3A_152 = tpu.vector_load %arg9[%parallel_loop3A_150, %parallel_loop3A_151] {strides = array<i32>} : memref<328x128xf32, #tpu.memory_space<vmem>>, vector<1x16xf32>,
        %parallel_loop3A_153 = vector.shape_cast %parallel_loop3A_152 : vector<1x16xf32> to vector<16xf32>
        %parallel_loop3A_154 = arith.addf %parallel_loop3A_149, %parallel_loop3A_153 : vector<16xf32>
        %parallel_loop3A_155 = arith.index_cast %parallel_loop3A_88 : i32 to index
        %parallel_loop3A_156 = arith.constant 64 : index
        %parallel_loop3A_157 = tpu.vector_load %arg8[%parallel_loop3A_155, %parallel_loop3A_156] {strides = array<i32>} : memref<128x128xf32, #tpu.memory_space<vmem>>, vector<1x16xf32>,
        %parallel_loop3A_158 = vector.shape_cast %parallel_loop3A_157 : vector<1x16xf32> to vector<16xf32>
        %parallel_loop3A_159 = vector.shape_cast %parallel_loop3A_154 : vector<16xf32> to vector<1x16xf32>
        tpu.vector_store %arg8[%parallel_loop3A_155, %parallel_loop3A_156], %parallel_loop3A_159 {strides = array<i32>} : memref<128x128xf32, #tpu.memory_space<vmem>>, vector<1x16xf32>,
        %parallel_loop3A_160 = arith.index_cast %parallel_loop3A_88 : i32 to index
        %parallel_loop3A_161 = arith.constant 80 : index
        %parallel_loop3A_162 = tpu.vector_load %arg8[%parallel_loop3A_160, %parallel_loop3A_161] {strides = array<i32>} : memref<128x128xf32, #tpu.memory_space<vmem>>, vector<1x16xf32>,
        %parallel_loop3A_163 = vector.shape_cast %parallel_loop3A_162 : vector<1x16xf32> to vector<16xf32>
        %parallel_loop3A_164 = arith.index_cast %parallel_loop3A_89 : i32 to index
        %parallel_loop3A_165 = arith.constant 80 : index
        %parallel_loop3A_166 = tpu.vector_load %arg9[%parallel_loop3A_164, %parallel_loop3A_165] {strides = array<i32>} : memref<328x128xf32, #tpu.memory_space<vmem>>, vector<1x16xf32>,
        %parallel_loop3A_167 = vector.shape_cast %parallel_loop3A_166 : vector<1x16xf32> to vector<16xf32>
        %parallel_loop3A_168 = arith.addf %parallel_loop3A_163, %parallel_loop3A_167 : vector<16xf32>
        %parallel_loop3A_169 = arith.index_cast %parallel_loop3A_88 : i32 to index
        %parallel_loop3A_170 = arith.constant 80 : index
        %parallel_loop3A_171 = tpu.vector_load %arg8[%parallel_loop3A_169, %parallel_loop3A_170] {strides = array<i32>} : memref<128x128xf32, #tpu.memory_space<vmem>>, vector<1x16xf32>,
        %parallel_loop3A_172 = vector.shape_cast %parallel_loop3A_171 : vector<1x16xf32> to vector<16xf32>
        %parallel_loop3A_173 = vector.shape_cast %parallel_loop3A_168 : vector<16xf32> to vector<1x16xf32>
        tpu.vector_store %arg8[%parallel_loop3A_169, %parallel_loop3A_170], %parallel_loop3A_173 {strides = array<i32>} : memref<128x128xf32, #tpu.memory_space<vmem>>, vector<1x16xf32>,
        %parallel_loop3A_174 = arith.index_cast %parallel_loop3A_88 : i32 to index
        %parallel_loop3A_175 = arith.constant 96 : index
        %parallel_loop3A_176 = tpu.vector_load %arg8[%parallel_loop3A_174, %parallel_loop3A_175] {strides = array<i32>} : memref<128x128xf32, #tpu.memory_space<vmem>>, vector<1x16xf32>,
        %parallel_loop3A_177 = vector.shape_cast %parallel_loop3A_176 : vector<1x16xf32> to vector<16xf32>
        %parallel_loop3A_178 = arith.index_cast %parallel_loop3A_89 : i32 to index
        %parallel_loop3A_179 = arith.constant 96 : index
        %parallel_loop3A_180 = tpu.vector_load %arg9[%parallel_loop3A_178, %parallel_loop3A_179] {strides = array<i32>} : memref<328x128xf32, #tpu.memory_space<vmem>>, vector<1x16xf32>,
        %parallel_loop3A_181 = vector.shape_cast %parallel_loop3A_180 : vector<1x16xf32> to vector<16xf32>
        %parallel_loop3A_182 = arith.addf %parallel_loop3A_177, %parallel_loop3A_181 : vector<16xf32>
        %parallel_loop3A_183 = arith.index_cast %parallel_loop3A_88 : i32 to index
        %parallel_loop3A_184 = arith.constant 96 : index
        %parallel_loop3A_185 = tpu.vector_load %arg8[%parallel_loop3A_183, %parallel_loop3A_184] {strides = array<i32>} : memref<128x128xf32, #tpu.memory_space<vmem>>, vector<1x16xf32>,
        %parallel_loop3A_186 = vector.shape_cast %parallel_loop3A_185 : vector<1x16xf32> to vector<16xf32>
        %parallel_loop3A_187 = vector.shape_cast %parallel_loop3A_182 : vector<16xf32> to vector<1x16xf32>
        tpu.vector_store %arg8[%parallel_loop3A_183, %parallel_loop3A_184], %parallel_loop3A_187 {strides = array<i32>} : memref<128x128xf32, #tpu.memory_space<vmem>>, vector<1x16xf32>,
        %parallel_loop3A_188 = arith.index_cast %parallel_loop3A_88 : i32 to index
        %parallel_loop3A_189 = arith.constant 112 : index
        %parallel_loop3A_190 = tpu.vector_load %arg8[%parallel_loop3A_188, %parallel_loop3A_189] {strides = array<i32>} : memref<128x128xf32, #tpu.memory_space<vmem>>, vector<1x16xf32>,
        %parallel_loop3A_191 = vector.shape_cast %parallel_loop3A_190 : vector<1x16xf32> to vector<16xf32>
        %parallel_loop3A_192 = arith.index_cast %parallel_loop3A_89 : i32 to index
        %parallel_loop3A_193 = arith.constant 112 : index
        %parallel_loop3A_194 = tpu.vector_load %arg9[%parallel_loop3A_192, %parallel_loop3A_193] {strides = array<i32>} : memref<328x128xf32, #tpu.memory_space<vmem>>, vector<1x16xf32>,
        %parallel_loop3A_195 = vector.shape_cast %parallel_loop3A_194 : vector<1x16xf32> to vector<16xf32>
        %parallel_loop3A_196 = arith.addf %parallel_loop3A_191, %parallel_loop3A_195 : vector<16xf32>
        %parallel_loop3A_197 = arith.index_cast %parallel_loop3A_88 : i32 to index
        %parallel_loop3A_198 = arith.constant 112 : index
        %parallel_loop3A_199 = tpu.vector_load %arg8[%parallel_loop3A_197, %parallel_loop3A_198] {strides = array<i32>} : memref<128x128xf32, #tpu.memory_space<vmem>>, vector<1x16xf32>,
        %parallel_loop3A_200 = vector.shape_cast %parallel_loop3A_199 : vector<1x16xf32> to vector<16xf32>
        %parallel_loop3A_201 = vector.shape_cast %parallel_loop3A_196 : vector<16xf32> to vector<1x16xf32>
        tpu.vector_store %arg8[%parallel_loop3A_197, %parallel_loop3A_198], %parallel_loop3A_201 {strides = array<i32>} : memref<128x128xf32, #tpu.memory_space<vmem>>, vector<1x16xf32>,
      } {sc.loop_unroll_factor = 4 : i64, sc.parallel_access}
      %add3A_80 = arith.addi %mul3A_2, %add3A_27 : i32
      %mul3A_81 = arith.constant 128 : i32
      %mul3A_82 = arith.muli %add3A_80, %mul3A_81 : i32
      %dma_start3A_83 = arith.constant 0 : i32
      %dma_start3A_84 = tpu.memref_slice %arg5[%mul3A_82, %dma_start3A_83] : memref<819200x128xf32, #tpu.memory_space<hbm>> -> memref<128x128xf32, #tpu.memory_space<hbm>>
      %dma_start3A_85 = arith.constant 0 : i32
      %dma_start3A_86 = tpu.memref_slice %arg5[%mul3A_82, %dma_start3A_85] : memref<819200x128xf32, #tpu.memory_space<hbm>> -> memref<128x128xf32, #tpu.memory_space<hbm>>
      tpu.enqueue_dma source(%arg8 : memref<128x128xf32, #tpu.memory_space<vmem>>) target(%dma_start3A_86 : memref<128x128xf32, #tpu.memory_space<hbm>>) target_semaphore(%arg13 : memref<!tpu.dma_semaphore, #tpu.memory_space<semaphore_mem>>)
      %scan3A_87 = arith.constant 0 : i32
      scf.yield %scan3A_87 : i32
    }
    %scan3A_14 = arith.constant 100 : i32
    %add3A_15 = arith.constant 199 : i32
    %add3A_16 = arith.addi %mul3A_2, %add3A_15 : i32
    %mul3A_17 = arith.constant 128 : i32
    %mul3A_18 = arith.muli %add3A_16, %mul3A_17 : i32
    %dma_wait3A = arith.constant 0 : i32
    %dma_wait3A_19 = tpu.memref_slice %arg5[%mul3A_18, %dma_wait3A] : memref<819200x128xf32, #tpu.memory_space<hbm>> -> memref<128x128xf32, #tpu.memory_space<hbm>>
    %dma_wait3A_20 = arith.constant 0 : i32
    %dma_wait3A_21 = tpu.memref_slice %arg5[%mul3A_18, %dma_wait3A_20] : memref<819200x128xf32, #tpu.memory_space<hbm>> -> memref<128x128xf32, #tpu.memory_space<hbm>>
    tpu.wait_dma2 semaphore(%arg13 : memref<!tpu.dma_semaphore, #tpu.memory_space<semaphore_mem>>) src(%arg8 : memref<128x128xf32, #tpu.memory_space<vmem>>) dst(%dma_wait3A_21 : memref<128x128xf32, #tpu.memory_space<hbm>>)
    return
  }
}

</mosaic_0001>

<sc_bundles>
// kernel: kernel.3.cloned.1.call-start
scs
__scs_entry_jumppad:
0x0: {  	(pc) =	sbr.rel $0x88, $3  }
0x1: {  	(tag) =	ssettag $0x0;
	lr =	simm.s32 $0x1  }
0x2: {  	[smem:$0x3F9E] =	sst lr;
	_ =	strace $0xD0000000  }
0x3: {  	_ = 	snop  }
0x4: {  	_ = 	snop  }
0x5: {  	_ = 	snop  }
0x6: {  	_ = 	snop  }
0x7: {  	_ = 	snop  }
__scs_overlays_trampoline_lowered:
0x8: {  	[smem:$0x3FAD] =	sst s0  }
0x9: {  	[smem:$0x3FAE] =	sst s1  }
0xa: {  	[smem:$0x3FAF] =	sst s2  }
0xb: {  	[smem:$0x3FB0] =	sst s3  }
0xc: {  	[smem:$0x3FB1] =	sst s4  }
0xd: {  	[smem:$0x3FB2] =	sst s5  }
0xe: {  	[smem:$0x3FB3] =	sst s6  }
0xf: {  	[smem:$0x3FB4] =	sst s7  }
0x10: {  	[smem:$0x3FB5] =	sst s8  }
0x11: {  	[smem:$0x3FB6] =	sst s9;
	s0 =	simm.s32 @!p0 $0x0  }
0x12: {  	s1 =	sld [smem:$0x3F9C];
	s0 =	simm.s32 @p0 $0x1  }
0x13: {  	[smem:$0x3FB7] =	sst s0;
	s0 =	simm.s32 @!p1 $0x0  }
0x14: {  	s2 =	sld [smem:$0x3F9B];
	s0 =	simm.s32 @p1 $0x1  }
0x15: {  	[smem:$0x3FB8] =	sst s0;
	s0 =	simm.s32 @!p2 $0x0  }
0x16: {  	s3 =	sld [smem:$0x3FDB];
	s0 =	simm.s32 @p2 $0x1  }
0x17: {  	s4 =	simm.s32 $0x1BF5;
	[smem:$0x3FBA] =	sst s0  }
0x18: {  	s0 =	sld [smem:$0x3F9D];
	_ =	swait.ge [sflag:s4], $0x0  }
0x19: {  	s7 =	sld [smem:$0x3F9E]  }
0x1a: {  	s8 =	sadd.s32 $0xFFFFE003, lr  }
0x1b: {  	s9 =	sadd.s32 $0xFFFFFEF7, lr;
	s5 =	simm.s32 $0xFFFFFFFF;
	p2 =	slt.u32 s8, $0xFFFFF086  }
0x1c: {  	p1 =	slt.u32 s9, $0xF7A;
	s5 =	simm.s32 @!p2 $0x0  }
0x1d: {  	s5 =	simm.s32 @p1 $0x1;
	p0 =	seq.s32 s7, s2  }
0x1e: {  	s7 =	smul.u32 @!p0 $0xF7A, s2;
	p2 =	seq.s32 @!p0 s5, $0x0  }
0x1f: {  	s9 =	smul.u32 $0xF7A, s1;
	s8 =	simm.s32 @!p0 $0x1BF5;
	p2 =	por !p2, p0  }
0x20: {  	[sflag:s8] =	ssyncset.s32 @!p0 $0xFFFFF086;
	s6 =	sadd.s32 @!p0 s3, s7;
	s7 =	simm.s32 @!p0 $0x108  }
0x21: {  	s3 =	sadd.s32 s3, s9;
	s6 =	sadd.s32 @!p0 $0x88, s6;
	s7 =	simm.s32 @p2 $0x1082  }
0x22: {  	[simem:s7], [sflag:s8] =	dma.local @!p0 [hbm:s6], $0xF7A  }
0x23: {  	s9 =	sor.u32 $0xD0000000, s2;
	s6 =	simm.s32 $0x108;
	_ =	swait.ge @!p0 [sflag:s8], $0x0  }
0x24: {  	s3 =	sadd.s32 $0x88, s3;
	s6 =	simm.s32 @!p1 $0x1082;
	[sflag:s4] =	ssyncset.s32 $0xFFFFF086  }
0x25: {  	[simem:s6], [sflag:s4] =	dma.local [hbm:s3], $0xF7A  }
0x26: {  	[smem:$0x3F9E] =	sst s1;
	(tag) =	ssettag s2;
	_ =	strace s9  }
0x27: {  	s1 =	sld [smem:$0x3FAE]  }
0x28: {  	s2 =	sld [smem:$0x3FAF]  }
0x29: {  	s4 =	sld [smem:$0x3FB1]  }
0x2a: {  	p0 =	seq.s32 s5, $0x0;
	s5 =	sld [smem:$0x3FB2]  }
0x2b: {  	s6 =	sld [smem:$0x3FB3]  }
0x2c: {  	s7 =	sld [smem:$0x3FB4]  }
0x2d: {  	s3 =	simm.s32 $0x108;
	s8 =	sld [smem:$0x3FB5]  }
0x2e: {  	s3 =	simm.s32 @!p0 $0x1082;
	s9 =	sld [smem:$0x3FB6]  }
0x2f: {  	lr =	sadd.s32 s0, s3;
	s0 =	sld [smem:$0x3FAD]  }
0x30: {  	s3 =	sld [smem:$0x3FB0]  }
0x31: {  	[smem:$0x3FB9] =	sst s10  }
0x32: {  	s10 =	sld [smem:$0x3FB7];
	_ =	sdelay $0x3  }
0x33: {  	p0 =	seq.s32 s10, $0x1;
	s10 =	sld [smem:$0x3FB9];
	_ =	sdelay $0x3  }
0x34: {  	[smem:$0x3FB9] =	sst s10  }
0x35: {  	s10 =	sld [smem:$0x3FB8];
	_ =	sdelay $0x3  }
0x36: {  	p1 =	seq.s32 s10, $0x1;
	s10 =	sld [smem:$0x3FB9];
	_ =	sdelay $0x3  }
0x37: {  	[smem:$0x3FB9] =	sst s10  }
0x38: {  	s10 =	sld [smem:$0x3FBA]  }
0x39: {  	_ = 	snop;
	(pc) =	sbr.ind lr, $3  }
0x3a: {  	_ = 	snop  }
0x3b: {  	_ = 	snop  }
0x3c: {  	p2 =	seq.s32 s10, $0x1;
	s10 =	sld [smem:$0x3FB9]  }
0x3d: {  	_ =	shalt  }
0x3e: {  	_ =	shalt  }
0x3f: {  	_ =	shalt  }
0x40: {  	_ =	shalt  }
0x41: {  	_ =	shalt  }
0x42: {  	_ =	shalt  }
0x43: {  	_ =	shalt  }
0x44: {  	_ =	shalt  }
0x45: {  	_ =	shalt  }
0x46: {  	_ =	shalt  }
0x47: {  	_ =	shalt  }
0x48: {  	_ =	shalt  }
0x49: {  	_ =	shalt  }
0x4a: {  	_ =	shalt  }
0x4b: {  	_ =	shalt  }
0x4c: {  	_ =	shalt  }
0x4d: {  	_ =	shalt  }
0x4e: {  	_ =	shalt  }
0x4f: {  	_ =	shalt  }
0x50: {  	_ =	shalt  }
0x51: {  	_ =	shalt  }
0x52: {  	_ =	shalt  }
0x53: {  	_ =	shalt  }
0x54: {  	_ =	shalt  }
0x55: {  	_ =	shalt  }
0x56: {  	_ =	shalt  }
0x57: {  	_ =	shalt  }
0x58: {  	_ =	shalt  }
0x59: {  	_ =	shalt  }
0x5a: {  	_ =	shalt  }
0x5b: {  	_ =	shalt  }
0x5c: {  	_ =	shalt  }
0x5d: {  	_ =	shalt  }
0x5e: {  	_ =	shalt  }
0x5f: {  	_ =	shalt  }
0x60: {  	_ =	shalt  }
0x61: {  	_ =	shalt  }
0x62: {  	_ =	shalt  }
0x63: {  	_ =	shalt  }
0x64: {  	_ =	shalt  }
0x65: {  	_ =	shalt  }
0x66: {  	_ =	shalt  }
0x67: {  	_ =	shalt  }
0x68: {  	_ =	shalt  }
0x69: {  	_ =	shalt  }
0x6a: {  	_ =	shalt  }
0x6b: {  	_ =	shalt  }
0x6c: {  	_ =	shalt  }
0x6d: {  	_ =	shalt  }
0x6e: {  	_ =	shalt  }
0x6f: {  	_ =	shalt  }
0x70: {  	_ =	shalt  }
0x71: {  	_ =	shalt  }
0x72: {  	_ =	shalt  }
0x73: {  	_ =	shalt  }
0x74: {  	_ =	shalt  }
0x75: {  	_ =	shalt  }
0x76: {  	_ =	shalt  }
0x77: {  	_ =	shalt  }
0x78: {  	_ =	shalt  }
0x79: {  	_ =	shalt  }
0x7a: {  	_ =	shalt  }
0x7b: {  	_ =	shalt  }
0x7c: {  	_ =	shalt  }
0x7d: {  	_ =	shalt  }
0x7e: {  	_ =	shalt  }
0x7f: {  	_ =	shalt  }
0x80: {  	_ =	shalt  }
0x81: {  	_ =	shalt  }
0x82: {  	_ =	shalt  }
0x83: {  	_ =	shalt  }
0x84: {  	_ =	shalt  }
0x85: {  	_ =	shalt  }
0x86: {  	_ =	shalt  }
0x87: {  	_ =	shalt  }
.Lfunc_end0:
.L_simem_size_0:
called_computation_lowered:
.L_overlay_start_0:
0x88: {  	s2 =	sld [smem:$0x3FD9]  }
0x89: {  	s3 =	sld [smem:$0x3FFE];
	_ =	sdelay $0x1  }
0x8a: {  	s1 =	srdreg.scid  }
0x8b: {  	s0 =	sand.u32 $0x1, s1  }
0x8c: {  	s17 =	sshll.u32 s0, $0xA;
	s2 =	sadd.s32 s3, s2  }
0x8d: {  	s2 =	sadd.s32 s2, s17  }
0x8e: {  	[smem:$0x3FC5] =	sst s2  }
0x8f: {  	_ = 	snop  }
0x90: {  	s2 =	sld [smem:$0x3FC8]  }
0x91: {  	s18 =	sld [smem:$0x3FC7]  }
0x92: {  	s4 =	sld [smem:$0x3FD0];
	(tm) =	ssettm $0x1  }
0x93: {  	s5 =	sld [smem:$0x3FFB];
	_ =	sdelay $0x3  }
0x94: {  	_ =	strace s5  }
0x95: {  	s5 =	sld [smem:$0x3FFC];
	_ =	sdelay $0x3  }
0x96: {  	_ =	strace s5  }
0x97: {  	s5 =	sld [smem:$0x3FFD];
	_ =	sdelay $0x3  }
0x98: {  	_ =	strace s5  }
0x99: {  	_ =	strace $0x8FFFFFFF  }
0x9a: {  	s19 =	sld [smem:$0x3FDB];
	_ =	sdelay $0x1  }
0x9b: {  	s6 =	simm.s32 $_scs_section_size  }
0x9c: {  	s7 =	simm.s32 $_size__tile_overlayer_lowered;
	s8 =	simm.s32 $_tile_overlayer_lowered  }
0x9d: {  	s22 =	simm.s32 $0x1BFF;
	s21 =	sshll.u32 s8, $0x1;
	s5 =	sadd.s32 s6, s19  }
0x9e: {  	s9 =	simm.s32 $0x0;
	s20 =	sshll.u32 s7, $0x1;
	s7 =	sadd.s32 s21, s5  }
0x9f: {  	[timem:s9], [sflag:s22] =	dma.local [hbm:s7], s20  }
0xa0: {  	_ =	swait.ge [sflag:s22], s20  }
0xa1: {  	s6 =	ssub.s32 $0x0, s20;
	[sflag:s22] =	ssyncset.done $0x0  }
0xa2: {  	[sflag:s22] =	ssyncadd.s32 s6;
	_ =	sdelay $0x1  }
0xa3: {  	s23 =	simm.s32 $0x1B8B  }
0xa4: {  	_ =	swait.ge [sflag:s23], $0x1  }
0xa5: {  	[sflag:s23] =	ssyncset.done $0x0  }
0xa6: {  	s25 =	simm.s32 $0x1B8E;
	s24 =	sld [smem:$0x3FFE];
	[sflag:s23] =	ssyncadd.s32 $0xFFFFFFFF  }
0xa7: {  	s26 =	simm.s32 $execute0_lowered;
	[smem:$0x3FD2] =	sst s25  }
0xa8: {  	s7 =	sshll.u32 s26, $0x1;
	_ =	strace $0x80000046;
	[dreg:$0x1] =	wrdreg $0xFFFFFFFF  }
0xa9: {  	s28 =	simm.s32 $_size_execute0_lowered;
	s5 =	sadd.s32 s5, s7;
	[dreg:$0x0] =	wrdreg $0x0  }
0xaa: {  	s7 =	sshll.u32 s28, $0x1;
	[dreg:$0x2] =	wrdreg s5  }
0xab: {  	[dreg:$0x3] =	wrdreg s7  }
0xac: {  	[dreg:$0x4] =	wrdreg $0xC0  }
0xad: {  	_ =	task [dreg:s9], $0x5FFFF  }
0xae: {  	[dreg:$0x1] =	wrdreg $0xFFFFFFFF  }
0xaf: {  	[dreg:$0x0] =	wrdreg $0x60  }
0xb0: {  	[dreg:$0x2] =	wrdreg s24  }
0xb1: {  	[dreg:$0x3] =	wrdreg s2  }
0xb2: {  	[dreg:$0x4] =	wrdreg s18  }
0xb3: {  	[dreg:$0x5] =	wrdreg s4  }
0xb4: {  	[dreg:$0x6] =	wrdreg $0x9  }
0xb5: {  	_ =	task.clear_ibuf [dreg:s9], $0x7FFFF;
	_ =	strace $0x90000046  }
0xb6: {  	s29 =	simm.s32 $0x9;
	_ =	strace $0x80000048  }
0xb7: {  	_ =	swait.ge [sflag:s29], $0x1  }
0xb8: {  	[sflag:s29] =	ssyncadd.s32 $0xFFFFFFFF  }
0xb9: {  	_ =	strace $0x90000048  }
0xba: {  	_ =	sfence  }
0xbb: {  	s30 =	sld [smem:$0x0];
	_ =	sdelay $0x2  }
0xbc: {  	s31 =	sshll.u32 s1, $0xD;
	s1 =	sshrl.u32 s1, $0x2  }
0xbd: {  	s3 =	sand.u32 $0x4000, s31;
	s1 =	sadd.s32 s1, s30  }
0xbe: {  	s0 =	sor.u32 s3, s0;
	s1 =	sshll.u32 s1, $0x11  }
0xbf: {  	s0 =	sor.u32 s1, s0  }
0xc0: {  	s0 =	sadd.s32 $0x8F2B, s0  }
0xc1: {  	[sflag:s0] =	ssyncadd.remote.s32 $0x1  }
0xc2: {  	_ =	sfence.sel $0xFFFF  }
0xc3: {  	[dreg:$0x0] =	wrdreg $0xFFFFFFFF;
	(pc) =	sbr.abs _section_cstart, $3  }
0xc4: {  	[dreg:$0x1] =	wrdreg $0xFFFFFFFF  }
0xc5: {  	_ =	task.clear_ibuf [dreg:s9], $0x2FFFF;
	_ =	strace $0x9FFFFFFF  }
0xc6: {  	(tm) =	ssettm $0x7FFFFFFF  }
0xc7: {  	_ =	shalt  }
tec
execute0_lowered:
.L_overlay_start_1:
0x0: {  	(tag) =	ssettag $0x1  }
0x1: {  	s2 =	rddreg [dreg:$0x0]  }
0x2: {  	s1 =	rddreg [dreg:$0x1]  }
0x3: {  	s4 =	srdreg.scid;
	s0 =	stileid.u32  }
0x4: {  	s3 =	rddreg [dreg:$0x2];
	s9 =	simm.s32 $0xE400;
	s10 =	simm.s32 $0x5  }
0x5: {  	s11 =	simm.s32 $0x14800;
	s12 =	simm.s32 $0x6400;
	s13 =	simm.s32 $0x80  }
0x6: {  	s14 =	simm.s32 $0xA400;
	s15 =	simm.s32 $0x1;
	s16 =	simm.s32 $0x2  }
0x7: {  	s17 =	simm.s32 $0x3;
	s6 =	sand.u32 $0x1, s4;
	s5 =	sshll.u32 s0, $0x1  }
0x8: {  	s18 =	simm.s32 $0x4;
	s4 =	rddreg [dreg:$0x3];
	s7 =	sor.u32 s6, s5  }
0x9: {  	s5 =	simm.s32 $0x0;
	s6 =	ssub.s32 $0x2, s6;
	s8 =	smul.u32 $0xC80, s7  }
0xa: {  	s19 =	simm.s32 $0x0;
	[smem:$0x7FF] =	sst s5;
	s31 =	sshrl.u32 s6, $0x1  }
0xb: {  	_ =	strace $0x80000047;
	s2 =	sadd.s32 s8, s2;
	s8 =	ssub.s32 s6, s31  }
0xc: {  	s6 =	smul.u32 $0xC8, s7;
	s7 =	sadd.s32 $0x400, s2;
	s8 =	smax.u32 s8, $0x1  }
.LBB2_1:
0xd: {  	[tilespmem:s9], [sflag:$0x5] =	stream.linear.gather [hbm4b:s3+s5], $0x6400, $0x38;
	[tilespmem:$0x18800] =	vst v63  }
0xe: {  	_ =	swait.ge [sflag:s10], $0x6400  }
0xf: {  	[sflag:s10] =	ssyncset.done $0x0  }
0x10: {  	[sflag:s10] =	ssyncadd.s32 $0xFFFF9C00  }
0x11: {  	[tilespmem:s11], [sflag:$0x5] =	stream.linear.gather [hbm4b:s3+s5], $0x4000, $0x38;
	[tilespmem:$0x18800] =	vst v63  }
0x12: {  	_ =	swait.ge [sflag:s10], $0x4000  }
0x13: {  	[sflag:s10] =	ssyncset.done $0x0  }
0x14: {  	[sflag:s10] =	ssyncadd.s32 $0xFFFFC000  }
0x15: {  	[tilespmem:s5], [sflag:$0x5] =	stream.linear.gather [hbm4b:s7+s5], $0x6400, $0x38;
	[tilespmem:$0x18800] =	vst v63  }
0x16: {  	s20 =	simm.s32 $0xE5F0;
	_ =	swait.ge [sflag:s10], $0x6400  }
0x17: {  	s21 =	simm.s32 $0x125F0;
	s22 =	simm.s32 $0x80;
	[sflag:s10] =	ssyncset.done $0x0  }
0x18: {  	s23 =	simm.s32 $0x0;
	s26 =	simm.s32 $0x0;
	[sflag:s10] =	ssyncadd.s32 $0xFFFF9C00  }
0x19: {  	[tilespmem:s12], [sflag:$0x1] =	stream.indirect.gather [hbm4b:s1+s13], $0x80, s5, s13, $0xb8;
	[tilespmem:$0x18800] =	vst v63  }
.LBB2_2:
0x1a: {  	p0 =	seq.s32 s26, $0x0  }
0x1b: {  	s2 =	simm.s32 @!p0 $0x4  }
0x1c: {  	s25 =	smulhi.u32 $0x51EB851F, s23;
	_ =	swait.ge @!p0 [sflag:s2], $0x4000  }
0x1d: {  	s24 =	sshllo.u32 s26, $0x1;
	[sflag:s2] =	ssyncset.done @!p0 $0x0  }
0x1e: {  	s25 =	sshrl.u32 s25, $0x6;
	[sflag:s2] =	ssyncadd.s32 @!p0 $0xFFFFC000;
	s2 =	sshll.u32 s24, $0x7  }
0x1f: {  	[tilespmem:s14], [sflag:$0x2] =	stream.indirect.gather [hbm4b:s1+s13], $0x80, s2, s13, $0xb8;
	[tilespmem:$0x18800] =	vst v63  }
0x20: {  	s25 =	smul.u32 $0xFFFE7000, s25;
	_ =	swait.ge [sflag:s15], $0x4000  }
0x21: {  	[sflag:s15] =	ssyncset.done $0x0  }
0x22: {  	s28 =	simm.s32 $0x6500;
	s2 =	sshra.s32 s25, $0x2;
	[sflag:s15] =	ssyncadd.s32 $0xFFFFC000  }
0x23: {  	s29 =	sadd.s32 s2, s20;
	v0 =	vld [tilespmem:s28+$0x80]  }
0x24: {  	v1 =	vld [tilespmem:s29+$0xFFFFFF90]  }
0x25: {  	v2 =	vld [tilespmem:s28+$0xFFFFFF80]  }
0x26: {  	v3 =	vld [tilespmem:s29+$0xFFFFFE90]  }
0x27: {  	v4 =	vld [tilespmem:s28+$0x0]  }
0x28: {  	v5 =	vld [tilespmem:s29+$0xFFFFFF10]  }
0x29: {  	v6 =	vld [tilespmem:s28+$0xFFFFFF00];
	v0 =	vadd.f32 v1, v0  }
0x2a: {  	v1 =	vld [tilespmem:s29+$0xFFFFFE10]  }
0x2b: {  	[tilespmem:s28+$0x80] =	vst v0;
	v0 =	vld [tilespmem:s28+$0x90]  }
0x2c: {  	v2 =	vadd.f32 v3, v2;
	v3 =	vld [tilespmem:s29+$0xFFFFFFA0]  }
0x2d: {  	v7 =	vld [tilespmem:s28+$0xFFFFFF10]  }
0x2e: {  	[tilespmem:s28+$0xFFFFFF80] =	vst v2;
	v2 =	vadd.f32 v5, v4;
	v4 =	vld [tilespmem:s28+$0xFFFFFF90]  }
0x2f: {  	v5 =	vld [tilespmem:s29+$0xFFFFFEA0];
	v1 =	vadd.f32 v1, v6  }
0x30: {  	[tilespmem:s28+$0x0] =	vst v2;
	v2 =	vld [tilespmem:s28+$0x10]  }
0x31: {  	v6 =	vld [tilespmem:s29+$0xFFFFFF20];
	[tilespmem:s28+$0xFFFFFF00] =	vst v1;
	v0 =	vadd.f32 v3, v0  }
0x32: {  	v1 =	vld [tilespmem:s29+$0xFFFFFE20]  }
0x33: {  	[tilespmem:s28+$0x90] =	vst v0;
	v0 =	vld [tilespmem:s28+$0xA0]  }
0x34: {  	v3 =	vadd.f32 v5, v4;
	v4 =	vld [tilespmem:s29+$0xFFFFFFB0]  }
0x35: {  	v5 =	vld [tilespmem:s28+$0xFFFFFF20]  }
0x36: {  	[tilespmem:s28+$0xFFFFFF90] =	vst v3;
	v2 =	vadd.f32 v6, v2;
	v3 =	vld [tilespmem:s28+$0xFFFFFFA0]  }
0x37: {  	v6 =	vld [tilespmem:s29+$0xFFFFFEB0];
	v1 =	vadd.f32 v1, v7  }
0x38: {  	[tilespmem:s28+$0x10] =	vst v2;
	v2 =	vld [tilespmem:s28+$0x20]  }
0x39: {  	v7 =	vld [tilespmem:s29+$0xFFFFFF30];
	[tilespmem:s28+$0xFFFFFF10] =	vst v1;
	v0 =	vadd.f32 v4, v0  }
0x3a: {  	v1 =	vld [tilespmem:s29+$0xFFFFFE30]  }
0x3b: {  	[tilespmem:s28+$0xA0] =	vst v0;
	v0 =	vld [tilespmem:s28+$0xB0]  }
0x3c: {  	v3 =	vadd.f32 v6, v3;
	v4 =	vld [tilespmem:s29+$0xFFFFFFC0]  }
0x3d: {  	v6 =	vld [tilespmem:s28+$0xFFFFFF30]  }
0x3e: {  	[tilespmem:s28+$0xFFFFFFA0] =	vst v3;
	v2 =	vadd.f32 v7, v2;
	v3 =	vld [tilespmem:s28+$0xFFFFFFB0]  }
0x3f: {  	v7 =	vld [tilespmem:s29+$0xFFFFFEC0];
	v1 =	vadd.f32 v1, v5  }
0x40: {  	[tilespmem:s28+$0x20] =	vst v2;
	v2 =	vld [tilespmem:s28+$0x30]  }
0x41: {  	v5 =	vld [tilespmem:s29+$0xFFFFFF40];
	[tilespmem:s28+$0xFFFFFF20] =	vst v1;
	v0 =	vadd.f32 v4, v0  }
0x42: {  	v1 =	vld [tilespmem:s29+$0xFFFFFE40]  }
0x43: {  	[tilespmem:s28+$0xB0] =	vst v0;
	v0 =	vld [tilespmem:s28+$0xC0]  }
0x44: {  	v3 =	vadd.f32 v7, v3;
	v4 =	vld [tilespmem:s29+$0xFFFFFFD0]  }
0x45: {  	v7 =	vld [tilespmem:s28+$0xFFFFFF40]  }
0x46: {  	[tilespmem:s28+$0xFFFFFFB0] =	vst v3;
	v2 =	vadd.f32 v5, v2;
	v3 =	vld [tilespmem:s28+$0xFFFFFFC0]  }
0x47: {  	v5 =	vld [tilespmem:s29+$0xFFFFFED0];
	v1 =	vadd.f32 v1, v6  }
0x48: {  	[tilespmem:s28+$0x30] =	vst v2;
	v2 =	vld [tilespmem:s28+$0x40]  }
0x49: {  	v6 =	vld [tilespmem:s29+$0xFFFFFF50];
	[tilespmem:s28+$0xFFFFFF30] =	vst v1;
	v0 =	vadd.f32 v4, v0  }
0x4a: {  	v1 =	vld [tilespmem:s29+$0xFFFFFE50]  }
0x4b: {  	[tilespmem:s28+$0xC0] =	vst v0;
	v0 =	vld [tilespmem:s28+$0xD0]  }
0x4c: {  	v3 =	vadd.f32 v5, v3;
	v4 =	vld [tilespmem:s29+$0xFFFFFFE0]  }
0x4d: {  	v5 =	vld [tilespmem:s28+$0xFFFFFF50]  }
0x4e: {  	[tilespmem:s28+$0xFFFFFFC0] =	vst v3;
	v2 =	vadd.f32 v6, v2;
	v3 =	vld [tilespmem:s28+$0xFFFFFFD0]  }
0x4f: {  	v6 =	vld [tilespmem:s29+$0xFFFFFEE0];
	v1 =	vadd.f32 v1, v7  }
0x50: {  	[tilespmem:s28+$0x40] =	vst v2;
	v2 =	vld [tilespmem:s28+$0x50]  }
0x51: {  	v7 =	vld [tilespmem:s29+$0xFFFFFF60];
	[tilespmem:s28+$0xFFFFFF40] =	vst v1;
	v0 =	vadd.f32 v4, v0  }
0x52: {  	v1 =	vld [tilespmem:s29+$0xFFFFFE60]  }
0x53: {  	[tilespmem:s28+$0xD0] =	vst v0;
	v0 =	vld [tilespmem:s28+$0xE0]  }
0x54: {  	v3 =	vadd.f32 v6, v3;
	v4 =	vld [tilespmem:s29+$0xFFFFFFF0]  }
0x55: {  	v6 =	vld [tilespmem:s28+$0xFFFFFF60]  }
0x56: {  	[tilespmem:s28+$0xFFFFFFD0] =	vst v3;
	v2 =	vadd.f32 v7, v2;
	v3 =	vld [tilespmem:s28+$0xFFFFFFE0]  }
0x57: {  	v7 =	vld [tilespmem:s29+$0xFFFFFEF0];
	v1 =	vadd.f32 v1, v5  }
0x58: {  	[tilespmem:s28+$0x50] =	vst v2;
	v2 =	vld [tilespmem:s28+$0x60]  }
0x59: {  	v5 =	vld [tilespmem:s29+$0xFFFFFF70];
	[tilespmem:s28+$0xFFFFFF50] =	vst v1;
	v0 =	vadd.f32 v4, v0  }
0x5a: {  	v4 =	vld [tilespmem:s29+$0xFFFFFE70]  }
0x5b: {  	v8 =	vld [tilespmem:s28+$0xF0];
	[tilespmem:s28+$0xE0] =	vst v0  }
0x5c: {  	s25 =	smulhi.u32 $0x51EB851F, s22;
	v1 =	vadd.f32 v7, v3;
	v7 =	vld [tilespmem:s29+$0x0]  }
0x5d: {  	v0 =	vld [tilespmem:s28+$0xFFFFFF70]  }
0x5e: {  	s2 =	sshrl.u32 s25, $0x6;
	[tilespmem:s28+$0xFFFFFFE0] =	vst v1;
	v2 =	vadd.f32 v5, v2;
	v1 =	vld [tilespmem:s28+$0xFFFFFFF0]  }
0x5f: {  	s2 =	smul.u32 $0xFFFE7000, s2;
	v3 =	vld [tilespmem:s29+$0xFFFFFF00];
	v4 =	vadd.f32 v4, v6  }
0x60: {  	[tilespmem:s28+$0x60] =	vst v2;
	v2 =	vld [tilespmem:s28+$0x70]  }
0x61: {  	s30 =	sshll.u32 s26, $0x1;
	s2 =	sshra.s32 s2, $0x2;
	[tilespmem:s28+$0xFFFFFF60] =	vst v4;
	v4 =	vld [tilespmem:s29+$0xFFFFFF80];
	v6 =	vadd.f32 v7, v8  }
0x62: {  	s31 =	simm.s32 $0x0;
	s25 =	sadd.s32 s2, s21;
	s2 =	simm.s32 $0x6700;
	v5 =	vld [tilespmem:s29+$0xFFFFFE80]  }
.LBB2_3:
0x63: {  	v7 =	vld [tilespmem:s2+$0x80];
	[tilespmem:s28+$0xF0] =	vst v6;
	s29 =	sadd.s32 $0x200, s29  }
0x64: {  	s31 =	sadd.s32 $0x4, s31;
	v6 =	vld [tilespmem:s29+$0xFFFFFF90];
	v1 =	vadd.f32 v3, v1  }
0x65: {  	p0 =	slt.u32 s31, $0x7C;
	v3 =	vld [tilespmem:s29+$0xFFFFFE10]  }
0x66: {  	v8 =	vld [tilespmem:s2+$0xFFFFFF80];
	[tilespmem:s28+$0xFFFFFFF0] =	vst v1;
	v1 =	vadd.f32 v4, v2  }
0x67: {  	v2 =	vld [tilespmem:s29+$0xFFFFFE90];
	v0 =	vadd.f32 v5, v0  }
0x68: {  	v4 =	vld [tilespmem:s2+$0x0];
	[tilespmem:s28+$0x70] =	vst v1  }
0x69: {  	v1 =	vld [tilespmem:s29+$0xFFFFFF10];
	v5 =	vadd.f32 v6, v7;
	[tilespmem:s28+$0xFFFFFF70] =	vst v0;
	s28 =	smov.u32 s2  }
0x6a: {  	v0 =	vld [tilespmem:s2+$0xFFFFFF00]  }
0x6b: {  	[tilespmem:s2+$0x80] =	vst v5;
	v5 =	vld [tilespmem:s2+$0x90]  }
0x6c: {  	v2 =	vadd.f32 v2, v8;
	v6 =	vld [tilespmem:s29+$0xFFFFFFA0]  }
0x6d: {  	v7 =	vld [tilespmem:s2+$0xFFFFFF10]  }
0x6e: {  	[tilespmem:s2+$0xFFFFFF80] =	vst v2;
	v2 =	vld [tilespmem:s2+$0xFFFFFF90];
	v1 =	vadd.f32 v1, v4  }
0x6f: {  	v0 =	vadd.f32 v3, v0;
	v3 =	vld [tilespmem:s29+$0xFFFFFEA0]  }
0x70: {  	[tilespmem:s2+$0x0] =	vst v1;
	v1 =	vld [tilespmem:s2+$0x10]  }
0x71: {  	[tilespmem:s2+$0xFFFFFF00] =	vst v0;
	v0 =	vld [tilespmem:s29+$0xFFFFFF20];
	v4 =	vadd.f32 v6, v5  }
0x72: {  	v5 =	vld [tilespmem:s29+$0xFFFFFE20]  }
0x73: {  	[tilespmem:s2+$0x90] =	vst v4;
	v4 =	vld [tilespmem:s2+$0xA0]  }
0x74: {  	v2 =	vadd.f32 v3, v2;
	v3 =	vld [tilespmem:s29+$0xFFFFFFB0]  }
0x75: {  	v6 =	vld [tilespmem:s2+$0xFFFFFF20]  }
0x76: {  	[tilespmem:s2+$0xFFFFFF90] =	vst v2;
	v2 =	vld [tilespmem:s2+$0xFFFFFFA0];
	v0 =	vadd.f32 v0, v1  }
0x77: {  	v1 =	vadd.f32 v5, v7;
	v5 =	vld [tilespmem:s29+$0xFFFFFEB0]  }
0x78: {  	[tilespmem:s2+$0x10] =	vst v0;
	v0 =	vld [tilespmem:s2+$0x20]  }
0x79: {  	[tilespmem:s2+$0xFFFFFF10] =	vst v1;
	v1 =	vld [tilespmem:s29+$0xFFFFFF30];
	v3 =	vadd.f32 v3, v4  }
0x7a: {  	v4 =	vld [tilespmem:s29+$0xFFFFFE30]  }
0x7b: {  	[tilespmem:s2+$0xA0] =	vst v3;
	v3 =	vld [tilespmem:s2+$0xB0]  }
0x7c: {  	v2 =	vadd.f32 v5, v2;
	v5 =	vld [tilespmem:s29+$0xFFFFFFC0]  }
0x7d: {  	v7 =	vld [tilespmem:s2+$0xFFFFFF30]  }
0x7e: {  	[tilespmem:s2+$0xFFFFFFA0] =	vst v2;
	v2 =	vld [tilespmem:s2+$0xFFFFFFB0];
	v0 =	vadd.f32 v1, v0  }
0x7f: {  	v1 =	vadd.f32 v4, v6;
	v4 =	vld [tilespmem:s29+$0xFFFFFEC0]  }
0x80: {  	[tilespmem:s2+$0x20] =	vst v0;
	v0 =	vld [tilespmem:s2+$0x30]  }
0x81: {  	[tilespmem:s2+$0xFFFFFF20] =	vst v1;
	v1 =	vld [tilespmem:s29+$0xFFFFFF40];
	v3 =	vadd.f32 v5, v3  }
0x82: {  	v5 =	vld [tilespmem:s29+$0xFFFFFE40]  }
0x83: {  	[tilespmem:s2+$0xB0] =	vst v3;
	v3 =	vld [tilespmem:s2+$0xC0]  }
0x84: {  	v2 =	vadd.f32 v4, v2;
	v4 =	vld [tilespmem:s29+$0xFFFFFFD0]  }
0x85: {  	v6 =	vld [tilespmem:s2+$0xFFFFFF40]  }
0x86: {  	[tilespmem:s2+$0xFFFFFFB0] =	vst v2;
	v2 =	vld [tilespmem:s2+$0xFFFFFFC0];
	v0 =	vadd.f32 v1, v0  }
0x87: {  	v1 =	vadd.f32 v5, v7;
	v5 =	vld [tilespmem:s29+$0xFFFFFED0]  }
0x88: {  	[tilespmem:s2+$0x30] =	vst v0;
	v0 =	vld [tilespmem:s2+$0x40]  }
0x89: {  	[tilespmem:s2+$0xFFFFFF30] =	vst v1;
	v1 =	vld [tilespmem:s29+$0xFFFFFF50];
	v3 =	vadd.f32 v4, v3  }
0x8a: {  	v4 =	vld [tilespmem:s29+$0xFFFFFE50]  }
0x8b: {  	[tilespmem:s2+$0xC0] =	vst v3;
	v3 =	vld [tilespmem:s2+$0xD0]  }
0x8c: {  	v2 =	vadd.f32 v5, v2;
	v5 =	vld [tilespmem:s29+$0xFFFFFFE0]  }
0x8d: {  	v7 =	vld [tilespmem:s2+$0xFFFFFF50]  }
0x8e: {  	[tilespmem:s2+$0xFFFFFFC0] =	vst v2;
	v2 =	vld [tilespmem:s2+$0xFFFFFFD0];
	v0 =	vadd.f32 v1, v0  }
0x8f: {  	v1 =	vadd.f32 v4, v6;
	v4 =	vld [tilespmem:s29+$0xFFFFFEE0]  }
0x90: {  	[tilespmem:s2+$0x40] =	vst v0;
	v0 =	vld [tilespmem:s2+$0x50]  }
0x91: {  	[tilespmem:s2+$0xFFFFFF40] =	vst v1;
	v1 =	vld [tilespmem:s29+$0xFFFFFF60];
	v3 =	vadd.f32 v5, v3  }
0x92: {  	v5 =	vld [tilespmem:s29+$0xFFFFFE60]  }
0x93: {  	[tilespmem:s2+$0xD0] =	vst v3;
	v3 =	vld [tilespmem:s2+$0xE0]  }
0x94: {  	v2 =	vadd.f32 v4, v2;
	v4 =	vld [tilespmem:s29+$0xFFFFFFF0]  }
0x95: {  	v6 =	vld [tilespmem:s2+$0xFFFFFF60]  }
0x96: {  	[tilespmem:s2+$0xFFFFFFD0] =	vst v2;
	v2 =	vld [tilespmem:s2+$0xFFFFFFE0];
	v0 =	vadd.f32 v1, v0  }
0x97: {  	v1 =	vadd.f32 v5, v7;
	v5 =	vld [tilespmem:s29+$0xFFFFFEF0]  }
0x98: {  	[tilespmem:s2+$0x50] =	vst v0;
	v7 =	vld [tilespmem:s2+$0x60]  }
0x99: {  	[tilespmem:s2+$0xFFFFFF50] =	vst v1;
	v8 =	vld [tilespmem:s29+$0xFFFFFF70];
	v0 =	vadd.f32 v4, v3  }
0x9a: {  	v3 =	vld [tilespmem:s29+$0xFFFFFE70]  }
0x9b: {  	[tilespmem:s2+$0xE0] =	vst v0;
	v9 =	vld [tilespmem:s2+$0xF0]  }
0x9c: {  	v1 =	vadd.f32 v5, v2;
	v5 =	vld [tilespmem:s29+$0x0]  }
0x9d: {  	v0 =	vld [tilespmem:s2+$0xFFFFFF70]  }
.Ltmp0:
0x9e: {  	[tilespmem:s2+$0xFFFFFFE0] =	vst v1;
	v1 =	vld [tilespmem:s2+$0xFFFFFFF0];
	v2 =	vadd.f32 v8, v7;
	(pc) =	sbr.rel @p0 .LBB2_3-.Ltmp0, $4  }
0x9f: {  	v4 =	vadd.f32 v3, v6;
	v3 =	vld [tilespmem:s29+$0xFFFFFF00]  }
0xa0: {  	[tilespmem:s2+$0x60] =	vst v2;
	v2 =	vld [tilespmem:s2+$0x70]  }
0xa1: {  	[tilespmem:s2+$0xFFFFFF60] =	vst v4;
	v4 =	vld [tilespmem:s29+$0xFFFFFF80];
	v6 =	vadd.f32 v5, v9  }
0xa2: {  	s2 =	sadd.s32 $0x200, s2;
	v5 =	vld [tilespmem:s29+$0xFFFFFE80]  }
0xa3: {  	_ =	sdelay $0x1  }
0xa4: {  	v1 =	vadd.f32 v3, v1  }
0xa5: {  	[tilespmem:s28+$0xF0] =	vst v6;
	v2 =	vadd.f32 v4, v2  }
0xa6: {  	s2 =	sadd.s32 s6, s30;
	[tilespmem:s28+$0xFFFFFFF0] =	vst v1;
	v0 =	vadd.f32 v5, v0  }
0xa7: {  	s2 =	sshll.u32 s2, $0xB;
	[tilespmem:s28+$0x70] =	vst v2  }
0xa8: {  	s2 =	sadd.s32 s4, s2;
	[tilespmem:s28+$0xFFFFFF70] =	vst v0  }
0xa9: {  	[hbm4b:s2+s5] =	stream.linear.scatter [tilespmem:s12], [sflag:$0x3], $0x4000, $0x38;
	[tilespmem:$0x18800] =	vst v63  }
0xaa: {  	_ =	swait.ge [sflag:s16], $0x4000  }
0xab: {  	[sflag:s16] =	ssyncset.done $0x0  }
0xac: {  	p0 =	seq.s32 s26, $0x63;
	[sflag:s16] =	ssyncadd.s32 $0xFFFFC000  }
0xad: {  	s2 =	sshll.u32 @!p0 s26, $0x8;
	_ =	swait.ge [sflag:s17], $0x4000  }
0xae: {  	s29 =	simm.s32 @!p0 $0x6400;
	s2 =	sand.u32 @!p0 $0x3FFFFF00, s2;
	[sflag:s17] =	ssyncset.done $0x0  }
0xaf: {  	s28 =	simm.s32 @!p0 $0x80;
	s2 =	sadd.s32 @!p0 $0x100, s2;
	[sflag:s17] =	ssyncadd.s32 $0xFFFFC000  }
0xb0: {  	[tilespmem:s29], [sflag:$0x1] =	stream.indirect.gather @!p0 [hbm4b:s1+s28], $0x80, s2, s28, $0xb8;
	[tilespmem:$0x18800] =	vst v63  }
0xb1: {  	s28 =	simm.s32 $0xA500  }
0xb2: {  	v0 =	vld [tilespmem:s28+$0x80]  }
0xb3: {  	v1 =	vld [tilespmem:s25+$0xFFFFFF90]  }
0xb4: {  	v2 =	vld [tilespmem:s28+$0xFFFFFF80]  }
0xb5: {  	v3 =	vld [tilespmem:s25+$0xFFFFFE90]  }
0xb6: {  	v4 =	vld [tilespmem:s28+$0x0]  }
0xb7: {  	v5 =	vld [tilespmem:s25+$0xFFFFFF10]  }
0xb8: {  	v6 =	vld [tilespmem:s28+$0xFFFFFF00];
	v0 =	vadd.f32 v1, v0  }
0xb9: {  	v1 =	vld [tilespmem:s25+$0xFFFFFE10]  }
0xba: {  	[tilespmem:s28+$0x80] =	vst v0;
	v0 =	vld [tilespmem:s28+$0x90]  }
0xbb: {  	v2 =	vadd.f32 v3, v2;
	v3 =	vld [tilespmem:s25+$0xFFFFFFA0]  }
0xbc: {  	v7 =	vld [tilespmem:s28+$0xFFFFFF10]  }
0xbd: {  	[tilespmem:s28+$0xFFFFFF80] =	vst v2;
	v2 =	vadd.f32 v5, v4;
	v4 =	vld [tilespmem:s28+$0xFFFFFF90]  }
0xbe: {  	v5 =	vld [tilespmem:s25+$0xFFFFFEA0];
	v1 =	vadd.f32 v1, v6  }
0xbf: {  	[tilespmem:s28+$0x0] =	vst v2;
	v2 =	vld [tilespmem:s28+$0x10]  }
0xc0: {  	v6 =	vld [tilespmem:s25+$0xFFFFFF20];
	[tilespmem:s28+$0xFFFFFF00] =	vst v1;
	v0 =	vadd.f32 v3, v0  }
0xc1: {  	v1 =	vld [tilespmem:s25+$0xFFFFFE20]  }
0xc2: {  	[tilespmem:s28+$0x90] =	vst v0;
	v0 =	vld [tilespmem:s28+$0xA0]  }
0xc3: {  	v3 =	vadd.f32 v5, v4;
	v4 =	vld [tilespmem:s25+$0xFFFFFFB0]  }
0xc4: {  	v5 =	vld [tilespmem:s28+$0xFFFFFF20]  }
0xc5: {  	[tilespmem:s28+$0xFFFFFF90] =	vst v3;
	v2 =	vadd.f32 v6, v2;
	v3 =	vld [tilespmem:s28+$0xFFFFFFA0]  }
0xc6: {  	v6 =	vld [tilespmem:s25+$0xFFFFFEB0];
	v1 =	vadd.f32 v1, v7  }
0xc7: {  	[tilespmem:s28+$0x10] =	vst v2;
	v2 =	vld [tilespmem:s28+$0x20]  }
0xc8: {  	v7 =	vld [tilespmem:s25+$0xFFFFFF30];
	[tilespmem:s28+$0xFFFFFF10] =	vst v1;
	v0 =	vadd.f32 v4, v0  }
0xc9: {  	v1 =	vld [tilespmem:s25+$0xFFFFFE30]  }
0xca: {  	[tilespmem:s28+$0xA0] =	vst v0;
	v0 =	vld [tilespmem:s28+$0xB0]  }
0xcb: {  	v3 =	vadd.f32 v6, v3;
	v4 =	vld [tilespmem:s25+$0xFFFFFFC0]  }
0xcc: {  	v6 =	vld [tilespmem:s28+$0xFFFFFF30]  }
0xcd: {  	[tilespmem:s28+$0xFFFFFFA0] =	vst v3;
	v2 =	vadd.f32 v7, v2;
	v3 =	vld [tilespmem:s28+$0xFFFFFFB0]  }
0xce: {  	v7 =	vld [tilespmem:s25+$0xFFFFFEC0];
	v1 =	vadd.f32 v1, v5  }
0xcf: {  	[tilespmem:s28+$0x20] =	vst v2;
	v2 =	vld [tilespmem:s28+$0x30]  }
0xd0: {  	v5 =	vld [tilespmem:s25+$0xFFFFFF40];
	[tilespmem:s28+$0xFFFFFF20] =	vst v1;
	v0 =	vadd.f32 v4, v0  }
0xd1: {  	v1 =	vld [tilespmem:s25+$0xFFFFFE40]  }
0xd2: {  	[tilespmem:s28+$0xB0] =	vst v0;
	v0 =	vld [tilespmem:s28+$0xC0]  }
0xd3: {  	v3 =	vadd.f32 v7, v3;
	v4 =	vld [tilespmem:s25+$0xFFFFFFD0]  }
0xd4: {  	v7 =	vld [tilespmem:s28+$0xFFFFFF40]  }
0xd5: {  	[tilespmem:s28+$0xFFFFFFB0] =	vst v3;
	v2 =	vadd.f32 v5, v2;
	v3 =	vld [tilespmem:s28+$0xFFFFFFC0]  }
0xd6: {  	v5 =	vld [tilespmem:s25+$0xFFFFFED0];
	v1 =	vadd.f32 v1, v6  }
0xd7: {  	[tilespmem:s28+$0x30] =	vst v2;
	v2 =	vld [tilespmem:s28+$0x40]  }
0xd8: {  	v6 =	vld [tilespmem:s25+$0xFFFFFF50];
	[tilespmem:s28+$0xFFFFFF30] =	vst v1;
	v0 =	vadd.f32 v4, v0  }
0xd9: {  	v1 =	vld [tilespmem:s25+$0xFFFFFE50]  }
0xda: {  	[tilespmem:s28+$0xC0] =	vst v0;
	v0 =	vld [tilespmem:s28+$0xD0]  }
0xdb: {  	v3 =	vadd.f32 v5, v3;
	v4 =	vld [tilespmem:s25+$0xFFFFFFE0]  }
0xdc: {  	v5 =	vld [tilespmem:s28+$0xFFFFFF50]  }
0xdd: {  	[tilespmem:s28+$0xFFFFFFC0] =	vst v3;
	v2 =	vadd.f32 v6, v2;
	v3 =	vld [tilespmem:s28+$0xFFFFFFD0]  }
0xde: {  	v6 =	vld [tilespmem:s25+$0xFFFFFEE0];
	v1 =	vadd.f32 v1, v7  }
0xdf: {  	[tilespmem:s28+$0x40] =	vst v2;
	v2 =	vld [tilespmem:s28+$0x50]  }
0xe0: {  	v7 =	vld [tilespmem:s25+$0xFFFFFF60];
	[tilespmem:s28+$0xFFFFFF40] =	vst v1;
	v0 =	vadd.f32 v4, v0  }
0xe1: {  	v1 =	vld [tilespmem:s25+$0xFFFFFE60]  }
0xe2: {  	[tilespmem:s28+$0xD0] =	vst v0;
	v0 =	vld [tilespmem:s28+$0xE0]  }
0xe3: {  	v3 =	vadd.f32 v6, v3;
	v4 =	vld [tilespmem:s25+$0xFFFFFFF0]  }
0xe4: {  	v6 =	vld [tilespmem:s28+$0xFFFFFF60]  }
0xe5: {  	[tilespmem:s28+$0xFFFFFFD0] =	vst v3;
	v2 =	vadd.f32 v7, v2;
	v3 =	vld [tilespmem:s28+$0xFFFFFFE0]  }
0xe6: {  	v7 =	vld [tilespmem:s25+$0xFFFFFEF0];
	v1 =	vadd.f32 v1, v5  }
0xe7: {  	[tilespmem:s28+$0x50] =	vst v2;
	v2 =	vld [tilespmem:s28+$0x60]  }
0xe8: {  	v5 =	vld [tilespmem:s25+$0xFFFFFF70];
	[tilespmem:s28+$0xFFFFFF50] =	vst v1;
	v0 =	vadd.f32 v4, v0  }
0xe9: {  	v4 =	vld [tilespmem:s25+$0xFFFFFE70]  }
0xea: {  	v8 =	vld [tilespmem:s28+$0xF0];
	[tilespmem:s28+$0xE0] =	vst v0  }
0xeb: {  	v1 =	vadd.f32 v7, v3;
	v7 =	vld [tilespmem:s25+$0x0]  }
0xec: {  	v0 =	vld [tilespmem:s28+$0xFFFFFF70]  }
0xed: {  	[tilespmem:s28+$0xFFFFFFE0] =	vst v1;
	v2 =	vadd.f32 v5, v2;
	v1 =	vld [tilespmem:s28+$0xFFFFFFF0]  }
0xee: {  	v3 =	vld [tilespmem:s25+$0xFFFFFF00];
	v4 =	vadd.f32 v4, v6  }
0xef: {  	[tilespmem:s28+$0x60] =	vst v2;
	v2 =	vld [tilespmem:s28+$0x70]  }
0xf0: {  	[tilespmem:s28+$0xFFFFFF60] =	vst v4;
	v4 =	vld [tilespmem:s25+$0xFFFFFF80];
	v6 =	vadd.f32 v7, v8  }
0xf1: {  	s26 =	sadd.s32 $0x1, s26;
	s29 =	simm.s32 $0x0;
	s2 =	simm.s32 $0xA700;
	v5 =	vld [tilespmem:s25+$0xFFFFFE80]  }
.LBB2_5:
0xf2: {  	v7 =	vld [tilespmem:s2+$0x80];
	[tilespmem:s28+$0xF0] =	vst v6;
	s25 =	sadd.s32 $0x200, s25  }
0xf3: {  	s29 =	sadd.s32 $0x4, s29;
	v6 =	vld [tilespmem:s25+$0xFFFFFF90];
	v1 =	vadd.f32 v3, v1  }
0xf4: {  	p0 =	slt.u32 s29, $0x7C;
	v3 =	vld [tilespmem:s25+$0xFFFFFE10]  }
0xf5: {  	v8 =	vld [tilespmem:s2+$0xFFFFFF80];
	[tilespmem:s28+$0xFFFFFFF0] =	vst v1;
	v1 =	vadd.f32 v4, v2  }
0xf6: {  	v2 =	vld [tilespmem:s25+$0xFFFFFE90];
	v0 =	vadd.f32 v5, v0  }
0xf7: {  	v4 =	vld [tilespmem:s2+$0x0];
	[tilespmem:s28+$0x70] =	vst v1  }
0xf8: {  	v1 =	vld [tilespmem:s25+$0xFFFFFF10];
	v5 =	vadd.f32 v6, v7;
	[tilespmem:s28+$0xFFFFFF70] =	vst v0;
	s28 =	smov.u32 s2  }
0xf9: {  	v0 =	vld [tilespmem:s2+$0xFFFFFF00]  }
0xfa: {  	[tilespmem:s2+$0x80] =	vst v5;
	v5 =	vld [tilespmem:s2+$0x90]  }
0xfb: {  	v2 =	vadd.f32 v2, v8;
	v6 =	vld [tilespmem:s25+$0xFFFFFFA0]  }
0xfc: {  	v7 =	vld [tilespmem:s2+$0xFFFFFF10]  }
0xfd: {  	[tilespmem:s2+$0xFFFFFF80] =	vst v2;
	v2 =	vld [tilespmem:s2+$0xFFFFFF90];
	v1 =	vadd.f32 v1, v4  }
0xfe: {  	v0 =	vadd.f32 v3, v0;
	v3 =	vld [tilespmem:s25+$0xFFFFFEA0]  }
0xff: {  	[tilespmem:s2+$0x0] =	vst v1;
	v1 =	vld [tilespmem:s2+$0x10]  }
0x100: {  	[tilespmem:s2+$0xFFFFFF00] =	vst v0;
	v0 =	vld [tilespmem:s25+$0xFFFFFF20];
	v4 =	vadd.f32 v6, v5  }
0x101: {  	v5 =	vld [tilespmem:s25+$0xFFFFFE20]  }
0x102: {  	[tilespmem:s2+$0x90] =	vst v4;
	v4 =	vld [tilespmem:s2+$0xA0]  }
0x103: {  	v2 =	vadd.f32 v3, v2;
	v3 =	vld [tilespmem:s25+$0xFFFFFFB0]  }
0x104: {  	v6 =	vld [tilespmem:s2+$0xFFFFFF20]  }
0x105: {  	[tilespmem:s2+$0xFFFFFF90] =	vst v2;
	v2 =	vld [tilespmem:s2+$0xFFFFFFA0];
	v0 =	vadd.f32 v0, v1  }
0x106: {  	v1 =	vadd.f32 v5, v7;
	v5 =	vld [tilespmem:s25+$0xFFFFFEB0]  }
0x107: {  	[tilespmem:s2+$0x10] =	vst v0;
	v0 =	vld [tilespmem:s2+$0x20]  }
0x108: {  	[tilespmem:s2+$0xFFFFFF10] =	vst v1;
	v1 =	vld [tilespmem:s25+$0xFFFFFF30];
	v3 =	vadd.f32 v3, v4  }
0x109: {  	v4 =	vld [tilespmem:s25+$0xFFFFFE30]  }
0x10a: {  	[tilespmem:s2+$0xA0] =	vst v3;
	v3 =	vld [tilespmem:s2+$0xB0]  }
0x10b: {  	v2 =	vadd.f32 v5, v2;
	v5 =	vld [tilespmem:s25+$0xFFFFFFC0]  }
0x10c: {  	v7 =	vld [tilespmem:s2+$0xFFFFFF30]  }
0x10d: {  	[tilespmem:s2+$0xFFFFFFA0] =	vst v2;
	v2 =	vld [tilespmem:s2+$0xFFFFFFB0];
	v0 =	vadd.f32 v1, v0  }
0x10e: {  	v1 =	vadd.f32 v4, v6;
	v4 =	vld [tilespmem:s25+$0xFFFFFEC0]  }
0x10f: {  	[tilespmem:s2+$0x20] =	vst v0;
	v0 =	vld [tilespmem:s2+$0x30]  }
0x110: {  	[tilespmem:s2+$0xFFFFFF20] =	vst v1;
	v1 =	vld [tilespmem:s25+$0xFFFFFF40];
	v3 =	vadd.f32 v5, v3  }
0x111: {  	v5 =	vld [tilespmem:s25+$0xFFFFFE40]  }
0x112: {  	[tilespmem:s2+$0xB0] =	vst v3;
	v3 =	vld [tilespmem:s2+$0xC0]  }
0x113: {  	v2 =	vadd.f32 v4, v2;
	v4 =	vld [tilespmem:s25+$0xFFFFFFD0]  }
0x114: {  	v6 =	vld [tilespmem:s2+$0xFFFFFF40]  }
0x115: {  	[tilespmem:s2+$0xFFFFFFB0] =	vst v2;
	v2 =	vld [tilespmem:s2+$0xFFFFFFC0];
	v0 =	vadd.f32 v1, v0  }
0x116: {  	v1 =	vadd.f32 v5, v7;
	v5 =	vld [tilespmem:s25+$0xFFFFFED0]  }
0x117: {  	[tilespmem:s2+$0x30] =	vst v0;
	v0 =	vld [tilespmem:s2+$0x40]  }
0x118: {  	[tilespmem:s2+$0xFFFFFF30] =	vst v1;
	v1 =	vld [tilespmem:s25+$0xFFFFFF50];
	v3 =	vadd.f32 v4, v3  }
0x119: {  	v4 =	vld [tilespmem:s25+$0xFFFFFE50]  }
0x11a: {  	[tilespmem:s2+$0xC0] =	vst v3;
	v3 =	vld [tilespmem:s2+$0xD0]  }
0x11b: {  	v2 =	vadd.f32 v5, v2;
	v5 =	vld [tilespmem:s25+$0xFFFFFFE0]  }
0x11c: {  	v7 =	vld [tilespmem:s2+$0xFFFFFF50]  }
0x11d: {  	[tilespmem:s2+$0xFFFFFFC0] =	vst v2;
	v2 =	vld [tilespmem:s2+$0xFFFFFFD0];
	v0 =	vadd.f32 v1, v0  }
0x11e: {  	v1 =	vadd.f32 v4, v6;
	v4 =	vld [tilespmem:s25+$0xFFFFFEE0]  }
0x11f: {  	[tilespmem:s2+$0x40] =	vst v0;
	v0 =	vld [tilespmem:s2+$0x50]  }
0x120: {  	[tilespmem:s2+$0xFFFFFF40] =	vst v1;
	v1 =	vld [tilespmem:s25+$0xFFFFFF60];
	v3 =	vadd.f32 v5, v3  }
0x121: {  	v5 =	vld [tilespmem:s25+$0xFFFFFE60]  }
0x122: {  	[tilespmem:s2+$0xD0] =	vst v3;
	v3 =	vld [tilespmem:s2+$0xE0]  }
0x123: {  	v2 =	vadd.f32 v4, v2;
	v4 =	vld [tilespmem:s25+$0xFFFFFFF0]  }
0x124: {  	v6 =	vld [tilespmem:s2+$0xFFFFFF60]  }
0x125: {  	[tilespmem:s2+$0xFFFFFFD0] =	vst v2;
	v2 =	vld [tilespmem:s2+$0xFFFFFFE0];
	v0 =	vadd.f32 v1, v0  }
0x126: {  	v1 =	vadd.f32 v5, v7;
	v5 =	vld [tilespmem:s25+$0xFFFFFEF0]  }
0x127: {  	[tilespmem:s2+$0x50] =	vst v0;
	v7 =	vld [tilespmem:s2+$0x60]  }
0x128: {  	[tilespmem:s2+$0xFFFFFF50] =	vst v1;
	v8 =	vld [tilespmem:s25+$0xFFFFFF70];
	v0 =	vadd.f32 v4, v3  }
0x129: {  	v3 =	vld [tilespmem:s25+$0xFFFFFE70]  }
0x12a: {  	[tilespmem:s2+$0xE0] =	vst v0;
	v9 =	vld [tilespmem:s2+$0xF0]  }
0x12b: {  	v1 =	vadd.f32 v5, v2;
	v5 =	vld [tilespmem:s25+$0x0]  }
0x12c: {  	v0 =	vld [tilespmem:s2+$0xFFFFFF70]  }
.Ltmp1:
0x12d: {  	[tilespmem:s2+$0xFFFFFFE0] =	vst v1;
	v1 =	vld [tilespmem:s2+$0xFFFFFFF0];
	v2 =	vadd.f32 v8, v7;
	(pc) =	sbr.rel @p0 .LBB2_5-.Ltmp1, $4  }
0x12e: {  	v4 =	vadd.f32 v3, v6;
	v3 =	vld [tilespmem:s25+$0xFFFFFF00]  }
0x12f: {  	[tilespmem:s2+$0x60] =	vst v2;
	v2 =	vld [tilespmem:s2+$0x70]  }
0x130: {  	[tilespmem:s2+$0xFFFFFF60] =	vst v4;
	v4 =	vld [tilespmem:s25+$0xFFFFFF80];
	v6 =	vadd.f32 v5, v9  }
0x131: {  	s2 =	sadd.s32 $0x200, s2;
	v5 =	vld [tilespmem:s25+$0xFFFFFE80]  }
0x132: {  	_ =	sdelay $0x1  }
0x133: {  	p0 =	sne.s32 s26, $0x64;
	v1 =	vadd.f32 v3, v1  }
.Ltmp2:
0x134: {  	[tilespmem:s28+$0xF0] =	vst v6;
	s2 =	sadd.s32 s6, s24;
	v2 =	vadd.f32 v4, v2;
	(pc) =	sbr.rel @p0 .LBB2_2-.Ltmp2, $4  }
0x135: {  	s2 =	sshll.u32 s2, $0xB;
	[tilespmem:s28+$0xFFFFFFF0] =	vst v1;
	v0 =	vadd.f32 v5, v0  }
0x136: {  	s20 =	sadd.s32 $0x8000, s20;
	s23 =	sadd.s32 $0x100, s23;
	s2 =	sand.u32 $0x1FFFF800, s2;
	[tilespmem:s28+$0x70] =	vst v2  }
0x137: {  	s21 =	sadd.s32 $0x8000, s21;
	s22 =	sadd.s32 $0x100, s22;
	s2 =	sadd.s32 s4, s2;
	[tilespmem:s28+$0xFFFFFF70] =	vst v0  }
0x138: {  	[hbm4b:s2+s5] =	stream.linear.scatter [tilespmem:s14], [sflag:$0x4], $0x4000, $0x38;
	[tilespmem:$0x18800] =	vst v63  }
0x139: {  	s19 =	sadd.s32 $0x1, s19  }
0x13a: {  	p0 =	sne.s32 s19, s8  }
.Ltmp3:
0x13b: {  	_ = 	snop;
	(pc) =	sbr.rel @p0 .LBB2_1-.Ltmp3, $4  }
0x13c: {  	_ = 	snop  }
0x13d: {  	_ =	swait.ge [sflag:s18], $0x4000  }
0x13e: {  	[sflag:s18] =	ssyncset.done $0x0  }
0x13f: {  	[sflag:s18] =	ssyncadd.s32 $0xFFFFC000  }
0x140: {  	_ =	sfence.sel $0x180000  }
0x141: {  	[bflag:$0x0] =	sbarrier.arrive $0xFFFF  }
0x142: {  	_ =	strace $0x90000047  }
0x143: {  	[bflag:$0x2] =	sbarrier.arrive $0xFFFF  }
0x144: {  	p0 =	sne.s32 s0, $0x0;
	s0 =	rddreg [dreg:$0x4]  }
0x145: {  	s0 =	sadd.s32 @!p0 $0x100000, s0  }
0x146: {  	[sflag:s0] =	ssyncadd.tile.s32 @!p0 $0x1;
	_ =	shalt  }
.Lfunc_end2:
_tile_overlayer_lowered:
.L_overlay_start_2:
0x147: {  	(tag) =	ssettag $0x2  }
0x148: {  	s0 =	rddreg [dreg:$0x0];
	s2 =	stileid.u32  }
0x149: {  	s1 =	rddreg [dreg:$0x1];
	p0 =	sne.s32 s2, $0x0  }
0x14a: {  	s3 =	rddreg [dreg:$0x2];
	[bflag:$0x3] =	sbarrier.arrive $0xFFFF;
	s2 =	simm.s32 @!p0 $0x1C05  }
0x14b: {  	[timem:s3], [sflag:s2] =	dma.local @!p0 [hbm:s0], s1  }
0x14c: {  	s0 =	simm.s32 @!p0 $0x5  }
0x14d: {  	_ =	swait.ge @!p0 [sflag:s0], s1  }
0x14e: {  	s1 =	ssub.s32 @!p0 $0x0, s1;
	[sflag:s0] =	ssyncset.done @!p0 $0x0  }
0x14f: {  	[sflag:s0] =	ssyncadd.s32 @!p0 s1  }
0x150: {  	[bflag:$0x3] =	sbarrier.arrive $0xFFFF  }
0x151: {  	_ =	shalt  }

</sc_bundles>
